<compile_context>
chip_gen: v7x
topology: tpu7x:2x2x1
jax: 0.10.2.dev20260603
libtpu: 0.0.44.dev20260713+nightly
codegen_flags: <defaults>
</compile_context>

<pallas_src>
import math

import jax
import jax.numpy as jnp
from jax import lax
from jax.experimental import pallas as pl
from jax.experimental.pallas import tpu as pltpu
from jax.experimental.pallas import tpu_sc as plsc

_N = 10000
_D = 128
_E = 320000
_G = 64

_NC = 2
_NS = 16
_NW = _NC * _NS
_EPW = _E // _NW
_K = 80
_NCH = _EPW // _K
_RSTEP = 624
_RPT = 640


def _agg_body(x_hbm, src_hbm, dst_hbm, out_hbm, src_v, dstst,
              rows0, rows1, rows2, acc, sem0, sem1, sem2):
    c = lax.axis_index("c")
    s = lax.axis_index("s")
    wid = s * _NC + c

    pltpu.async_copy(src_hbm.at[pl.ds(wid * _EPW, _EPW)], src_v, sem0)

    def _z(i, carry):
        rows0[i // 8, pl.ds((i % 8) * 16, 16)] = jnp.zeros((16,), jnp.float32)
        return carry

    lax.fori_loop(0, _K * (_D // 16), _z, 0)
    pltpu.make_async_copy(src_hbm.at[pl.ds(wid * _EPW, _EPW)], src_v,
                          sem0).wait()

    bufs = (rows0, rows1, rows2)
    sems = (sem0, sem1, sem2)

    def _issue(j, b):
        pltpu.async_copy(dst_hbm.at[pl.ds(wid * _EPW + j * _K, _K)],
                         dstst.at[b], sems[b])
        pltpu.async_copy(x_hbm.at[src_v.at[pl.ds(j * _K, _K)]],
                         bufs[b], sems[b])

    def _drain(j, b):
        pltpu.make_async_copy(dst_hbm.at[pl.ds(wid * _EPW + j * _K, _K)],
                              dstst.at[b], sems[b]).wait()
        pltpu.make_async_copy(x_hbm.at[src_v.at[pl.ds(j * _K, _K)]],
                              bufs[b], sems[b]).wait()
        pltpu.sync_copy(bufs[b], acc.at[dstst.at[b]], add=True)

    _issue(0, 1)
    _issue(1, 2)
    base = s * _RSTEP
    for t in range(_RPT // _K):
        pltpu.sync_copy(rows0, acc.at[pl.ds(base + t * _K, _K)])
    plsc.subcore_barrier()

    def _tri(i, carry):
        j = 3 * i
        _issue(j + 2, 0)
        _drain(j, 1)
        _issue(j + 3, 1)
        _drain(j + 1, 2)
        _issue(j + 4, 2)
        _drain(j + 2, 0)
        return carry

    lax.fori_loop(0, (_NCH - 2) // 3, _tri, 0)
    _drain(_NCH - 2, (_NCH - 1) % 3)
    _drain(_NCH - 1, _NCH % 3)
    plsc.subcore_barrier()

    pltpu.sync_copy(acc.at[pl.ds(base, _RPT)],
                    out_hbm.at[pl.ds(c * _N + base, _RPT)])


def _aggregate(x, src1d, dst1d):
    f = pl.kernel(
        _agg_body,
        out_type=jax.ShapeDtypeStruct((_NC * _N, _D), jnp.float32),
        mesh=plsc.VectorSubcoreMesh(core_axis_name="c", subcore_axis_name="s"),
        scratch_types=[
            pltpu.VMEM((_EPW,), jnp.int32),
            pltpu.VMEM((8, _K), jnp.int32),
            pltpu.VMEM((_K, _D), jnp.float32),
            pltpu.VMEM((_K, _D), jnp.float32),
            pltpu.VMEM((_K, _D), jnp.float32),
            pltpu.VMEM_SHARED((_N, _D), jnp.float32),
            pltpu.SemaphoreType.DMA,
            pltpu.SemaphoreType.DMA,
            pltpu.SemaphoreType.DMA,
        ],
    )
    return f(x, src1d, dst1d)


def _mlp_body(x_ref, a0_ref, a1_ref, w1_ref, b1_ref, w2_ref, b2_ref,
              sc_ref, sh_ref, o_ref):
    dnt = (((1,), (1,)), ((), ()))
    h = x_ref[...] + a0_ref[...] + a1_ref[...]
    h = lax.dot_general(h, w1_ref[...], dnt,
                        preferred_element_type=jnp.float32) + b1_ref[...]
    h = jnp.maximum(h, 0.0)
    h = lax.dot_general(h, w2_ref[...], dnt,
                        preferred_element_type=jnp.float32) + b2_ref[...]
    h = jnp.maximum(h, 0.0)
    o_ref[...] = h * sc_ref[...] + sh_ref[...]


def _mlp(x, agg, w1t, b1, w2t, b2, scale, shift):
    br = 2000
    nb = _N // br
    return pl.pallas_call(
        _mlp_body,
        grid=(nb,),
        in_specs=[
            pl.BlockSpec((br, _D), lambda i: (i, 0)),
            pl.BlockSpec((br, _D), lambda i: (i, 0)),
            pl.BlockSpec((br, _D), lambda i: (i + nb, 0)),
            pl.BlockSpec((_D, _D), lambda i: (0, 0)),
            pl.BlockSpec((1, _D), lambda i: (0, 0)),
            pl.BlockSpec((_D, _D), lambda i: (0, 0)),
            pl.BlockSpec((1, _D), lambda i: (0, 0)),
            pl.BlockSpec((1, _D), lambda i: (0, 0)),
            pl.BlockSpec((1, _D), lambda i: (0, 0)),
        ],
        out_specs=pl.BlockSpec((br, _D), lambda i: (i, 0)),
        out_shape=jax.ShapeDtypeStruct((_N, _D), jnp.float32),
    )(x, agg, agg, w1t, b1, w2t, b2, scale, shift)


_BR = 2000
_NB = _N // _BR


def _mlp_pool_body(x_ref, a0_ref, a1_ref, w1_ref, b1_ref, w2_ref, b2_ref,
                   sc_ref, sh_ref, b_ref, w5_ref, b5_ref, w6_ref, b6_ref,
                   o_ref, sums_acc, cnt_acc):
    i = pl.program_id(0)
    hp = None

    dnt = (((1,), (1,)), ((), ()))
    h = x_ref[...] + a0_ref[...] + a1_ref[...]
    h = lax.dot_general(h, w1_ref[...], dnt, preferred_element_type=jnp.float32,
                        precision=hp) + b1_ref[...]
    h = jnp.maximum(h, 0.0)
    h = lax.dot_general(h, w2_ref[...], dnt, preferred_element_type=jnp.float32,
                        precision=hp) + b2_ref[...]
    h = jnp.maximum(h, 0.0)
    h = h * sc_ref[...] + sh_ref[...]

    bv = b_ref[0, 0, :]
    oh = (lax.broadcasted_iota(jnp.int32, (_G, _BR), 0) == bv[None, :])
    oh = oh.astype(jnp.float32)
    dn = (((1,), (0,)), ((), ()))
    sums = lax.dot_general(oh, h, dn, preferred_element_type=jnp.float32,
                           precision=hp)
    ones = jnp.ones((_BR, _D), jnp.float32)
    cnt = lax.dot_general(oh, ones, dn, preferred_element_type=jnp.float32,
                          precision=hp)

    @pl.when(i == 0)
    def _():
        sums_acc[...] = sums
        cnt_acc[...] = cnt

    @pl.when(i > 0)
    def _():
        sums_acc[...] += sums
        cnt_acc[...] += cnt

    @pl.when(i == _NB - 1)
    def _():
        pooled = sums_acc[...] / jnp.maximum(cnt_acc[...], 1.0)
        p = lax.dot_general(pooled, w5_ref[...], dnt,
                            preferred_element_type=jnp.float32,
                            precision=hp) + b5_ref[...]
        p = jnp.maximum(p, 0.0)
        o = lax.dot_general(p, w6_ref[...], dnt,
                            preferred_element_type=jnp.float32,
                            precision=hp) + b6_ref[...]
        m = jnp.max(o, axis=-1, keepdims=True)
        lse = jnp.log(jnp.sum(jnp.exp(o - m), axis=-1, keepdims=True))
        o_ref[...] = o - m - lse


def _mlp_pool(h1, agg, w3t, b3, w4t, b4, scale, shift, batch2d,
              w5t, b5, w6t, b6):
    full = pl.BlockSpec((_D, _D), lambda i: (0, 0))
    row = pl.BlockSpec((1, _D), lambda i: (0, 0))
    return pl.pallas_call(
        _mlp_pool_body,
        grid=(_NB,),
        in_specs=[
            pl.BlockSpec((_BR, _D), lambda i: (i, 0)),
            pl.BlockSpec((_BR, _D), lambda i: (i, 0)),
            pl.BlockSpec((_BR, _D), lambda i: (i + _NB, 0)),
            full, row, full, row, row, row,
            pl.BlockSpec((1, 1, _BR), lambda i: (i, 0, 0)),
            full, row, full, row,
        ],
        out_specs=pl.BlockSpec((_G, _D), lambda i: (0, 0)),
        out_shape=jax.ShapeDtypeStruct((_G, _D), jnp.float32),
        scratch_shapes=[
            pltpu.VMEM((_G, _D), jnp.float32),
            pltpu.VMEM((_G, _D), jnp.float32),
        ],
    )(h1, agg, agg, w3t, b3, w4t, b4, scale, shift, batch2d,
      w5t, b5, w6t, b6)


def kernel(x, edge_index, batch, W1, b1, W2, b2, g1, be1,
           W3, b3, W4, b4, g2, be2, W5, b5, W6, b6):
    src1d = edge_index[0]
    dst1d = edge_index[1]
    inv = 1.0 / math.sqrt(1.0 + 1e-5)

    agg = _aggregate(x, src1d, dst1d)
    h = _mlp(x, agg, W1, b1.reshape(1, _D), W2, b2.reshape(1, _D),
             (g1 * inv).reshape(1, _D), be1.reshape(1, _D))
    agg = _aggregate(h, src1d, dst1d)
    return _mlp_pool(h, agg, W3, b3.reshape(1, _D), W4, b4.reshape(1, _D),
                     (g2 * inv).reshape(1, _D), be2.reshape(1, _D),
                     batch.reshape(_NB, 1, _BR), W5, b5.reshape(1, _D),
                     W6, b6.reshape(1, _D))

# --- scband reference (transcript-rebuilt; emitter-appended) ---
"""Pipeline reference for scband-net-19095424598712 (READ-ONLY COPY).

The authoritative reference and input builder live on the scoring server;
editing this copy changes nothing except your own understanding.
"""

import jax, jax.numpy as jnp
import numpy as np

N = 10000
E = 320000
D_IN = 128
DIM = 128
D_OUT = 128
G = 64


def _linear_params(k, fan_out, fan_in):
    kw, kb = jax.random.split(k)
    s = 1.0 / np.sqrt(fan_in)
    W = jax.random.uniform(kw, (fan_out, fan_in), minval=-s, maxval=s, dtype=jnp.float32)
    b = jax.random.uniform(kb, (fan_out,), minval=-s, maxval=s, dtype=jnp.float32)
    return W, b


def setup_inputs(seed: int = 0):
    key = jax.random.key(seed)
    ks = jax.random.split(key, 12)
    x = jax.random.normal(ks[0], (N, D_IN), dtype=jnp.float32)
    edge_index = jax.random.randint(ks[1], (2, E), 0, N, dtype=jnp.int32)
    batch = jnp.sort(jax.random.randint(ks[2], (N,), 0, G, dtype=jnp.int32))
    W1, b1 = _linear_params(ks[3], DIM, D_IN)
    W2, b2 = _linear_params(ks[4], DIM, DIM)
    g1 = jnp.ones((DIM,), jnp.float32)
    be1 = jnp.zeros((DIM,), jnp.float32)
    W3, b3 = _linear_params(ks[5], DIM, DIM)
    W4, b4 = _linear_params(ks[6], DIM, DIM)
    g2 = jnp.ones((DIM,), jnp.float32)
    be2 = jnp.zeros((DIM,), jnp.float32)
    W5, b5 = _linear_params(ks[7], DIM, DIM)
    W6, b6 = _linear_params(ks[8], D_OUT, DIM)
    return dict(x=x, edge_index=edge_index, batch=batch, W1=W1, b1=b1, W2=W2, b2=b2, g1=g1, be1=be1, W3=W3, b3=b3, W4=W4, b4=b4, g2=g2, be2=be2, W5=W5, b5=b5, W6=W6, b6=b6)


def _bn_eval(h, g, b):
    # BatchNorm1d in eval mode: running_mean=0, running_var=1, eps=1e-5
    return g * (h / jnp.sqrt(1.0 + 1e-5)) + b


def _gin_layer(x, src, dst, Wa, ba, Wb, bb, g, be):
    # GINConv with eps=0: MLP(x + sum_{j in N(i)} x_j)
    agg = jax.ops.segment_sum(x[src], dst, num_segments=x.shape[0])
    h = x + agg
    h = jax.nn.relu(h @ Wa.T + ba)
    h = jax.nn.relu(h @ Wb.T + bb)
    return _bn_eval(h, g, be)


def reference(x, edge_index, batch, W1, b1, W2, b2, g1, be1, W3, b3, W4, b4, g2, be2, W5, b5, W6, b6):
    src = edge_index[0]
    dst = edge_index[1]
    h = _gin_layer(x, src, dst, W1, b1, W2, b2, g1, be1)
    h = _gin_layer(h, src, dst, W3, b3, W4, b4, g2, be2)
    # global_mean_pool over batch segment ids
    sums = jax.ops.segment_sum(h, batch, num_segments=G)
    cnt = jax.ops.segment_sum(jnp.ones((h.shape[0], 1), h.dtype), batch, num_segments=G)
    pooled = sums / jnp.clip(cnt, 1.0)
    h = jax.nn.relu(pooled @ W5.T + b5)
    # dropout is identity in eval mode
    out = h @ W6.T + b6
    return jax.nn.log_softmax(out, axis=-1)

if __name__ == "__main__":
    import jax
    _d = setup_inputs()
    print(jax.jit(kernel)(*tuple(_d.values())))

</pallas_src>

<mosaic_0001>
#map = affine_map<(d0, d1) -> (0, 0)>
#map1 = affine_map<(d0, d1) -> (0)>
module attributes {stable_mosaic.version = 14 : i64} {
  func.func @_agg_body(%arg0: i32, %arg1: i32, %arg2: memref<10000x128xf32, #tpu.memory_space<hbm>>, %arg3: memref<320000xi32, #tpu.memory_space<hbm>>, %arg4: memref<320000xi32, #tpu.memory_space<hbm>>, %arg5: memref<20000x128xf32, #tpu.memory_space<hbm>>, %arg6: memref<10000xi32, #tpu.memory_space<vmem>>, %arg7: memref<8x80xi32, #tpu.memory_space<vmem>>, %arg8: memref<80x128xf32, #tpu.memory_space<vmem>>, %arg9: memref<80x128xf32, #tpu.memory_space<vmem>>, %arg10: memref<80x128xf32, #tpu.memory_space<vmem>>, %arg11: memref<10000x128xf32, #tpu.memory_space<vmem_shared>>, %arg12: memref<!tpu.dma_semaphore, #tpu.memory_space<semaphore_mem>>, %arg13: memref<!tpu.dma_semaphore, #tpu.memory_space<semaphore_mem>>, %arg14: memref<!tpu.dma_semaphore, #tpu.memory_space<semaphore_mem>>) attributes {dimension_semantics = [#tpu.dimension_semantics<core_parallel>, #tpu.dimension_semantics<subcore_parallel>], iteration_bounds = array<i64: 2, 16>, scalar_prefetch = 0 : i64, scratch_operands = 9 : i64, tpu.core_type = #tpu.core_type<sc_vector_subcore>, window_params = [{transform_indices = #map}, {transform_indices = #map1}, {transform_indices = #map1}, {transform_indices = #map}]} {
    %mul3A = arith.constant 2 : i32
    %mul3A_0 = arith.muli %arg1, %mul3A : i32
    %add3A = arith.addi %mul3A_0, %arg0 : i32
    %mul3A_1 = arith.constant 10000 : i32
    %mul3A_2 = arith.muli %add3A, %mul3A_1 : i32
    %dma_start3A = tpu.memref_slice %arg3[%mul3A_2] : memref<320000xi32, #tpu.memory_space<hbm>> -> memref<10000xi32, #tpu.memory_space<hbm>>
    %dma_start3A_3 = tpu.memref_slice %arg3[%mul3A_2] : memref<320000xi32, #tpu.memory_space<hbm>> -> memref<10000xi32, #tpu.memory_space<hbm>>
    tpu.enqueue_dma source(%dma_start3A_3 : memref<10000xi32, #tpu.memory_space<hbm>>) target(%arg6 : memref<10000xi32, #tpu.memory_space<vmem>>) target_semaphore(%arg12 : memref<!tpu.dma_semaphore, #tpu.memory_space<semaphore_mem>>)
    %scan3A = arith.constant 0 : i32
    %scan3A_4 = arith.constant 0 : i32
    %scan3A_5 = arith.constant 640 : i32
    %scan3A_6 = arith.addi %scan3A_4, %scan3A_5 : i32
    %scan3A_7 = arith.constant 1 : i32
    scf.for %scan3A_113 = %scan3A_4 to %scan3A_6 step %scan3A_7  : i32 {
      %broadcast_in_dim3A = arith.constant 0.000000e+00 : f32
      %broadcast_in_dim3A_114 = vector.broadcast %broadcast_in_dim3A : f32 to vector<16xf32>
      %jit3A = arith.constant 8 : i32
      %div3A = arith.divsi %scan3A_113, %jit3A : i32
      %sign3A = arith.constant 0 : i32
      %sign3A_115 = arith.cmpi sgt, %scan3A_113, %sign3A : i32
      %sign3A_116 = arith.extui %sign3A_115 : i1 to i32
      %sign3A_117 = arith.constant 0 : i32
      %sign3A_118 = arith.cmpi slt, %scan3A_113, %sign3A_117 : i32
      %sign3A_119 = arith.extui %sign3A_118 : i1 to i32
      %sign3A_120 = arith.subi %sign3A_116, %sign3A_119 : i32
      %sign3A_121 = arith.constant 0 : i32
      %sign3A_122 = arith.cmpi sgt, %jit3A, %sign3A_121 : i32
      %sign3A_123 = arith.extui %sign3A_122 : i1 to i32
      %sign3A_124 = arith.constant 0 : i32
      %sign3A_125 = arith.cmpi slt, %jit3A, %sign3A_124 : i32
      %sign3A_126 = arith.extui %sign3A_125 : i1 to i32
      %sign3A_127 = arith.subi %sign3A_123, %sign3A_126 : i32
      %ne3A = arith.cmpi ne, %sign3A_120, %sign3A_127 : i32
      %rem3A = arith.remsi %scan3A_113, %jit3A : i32
      %ne3A_128 = arith.constant 0 : i32
      %ne3A_129 = arith.cmpi ne, %rem3A, %ne3A_128 : i32
      %and3A = arith.andi %ne3A, %ne3A_129 : i1
      %sub3A = arith.constant 1 : i32
      %sub3A_130 = arith.subi %div3A, %sub3A : i32
      %select_n3A = arith.select %and3A, %sub3A_130, %div3A : i32
      %jit3A_131 = arith.constant 8 : i32
      %eq3A = arith.constant 0 : i32
      %eq3A_132 = arith.cmpi eq, %jit3A_131, %eq3A : i32
      %jit3A_133 = arith.constant 1 : i32
      %select_n3A_134 = arith.select %eq3A_132, %jit3A_133, %jit3A_131 : i32
      %rem3A_135 = arith.remsi %scan3A_113, %select_n3A_134 : i32
      %ne3A_136 = arith.constant 0 : i32
      %ne3A_137 = arith.cmpi ne, %rem3A_135, %ne3A_136 : i32
      %lt3A = arith.constant 0 : i32
      %lt3A_138 = arith.cmpi slt, %rem3A_135, %lt3A : i32
      %lt3A_139 = arith.constant 0 : i32
      %lt3A_140 = arith.cmpi slt, %select_n3A_134, %lt3A_139 : i32
      %ne3A_141 = arith.xori %lt3A_138, %lt3A_140 : i1
      %and3A_142 = arith.andi %ne3A_141, %ne3A_137 : i1
      %add3A_143 = arith.addi %rem3A_135, %select_n3A_134 : i32
      %select_n3A_144 = arith.select %and3A_142, %add3A_143, %rem3A_135 : i32
      %mul3A_145 = arith.constant 16 : i32
      %mul3A_146 = arith.muli %select_n3A_144, %mul3A_145 : i32
      %swap3A = arith.index_cast %select_n3A : i32 to index
      %swap3A_147 = arith.index_cast %mul3A_146 : i32 to index
      %swap3A_148 = tpu.vector_load %arg8[%swap3A, %swap3A_147] {strides = array<i32>} : memref<80x128xf32, #tpu.memory_space<vmem>>, vector<1x16xf32>,
      %swap3A_149 = vector.shape_cast %swap3A_148 : vector<1x16xf32> to vector<16xf32>
      %swap3A_150 = vector.shape_cast %broadcast_in_dim3A_114 : vector<16xf32> to vector<1x16xf32>
      tpu.vector_store %arg8[%swap3A, %swap3A_147], %swap3A_150 {strides = array<i32>} : memref<80x128xf32, #tpu.memory_space<vmem>>, vector<1x16xf32>,
    }
    %scan3A_8 = arith.constant 640 : i32
    %mul3A_9 = arith.constant 10000 : i32
    %mul3A_10 = arith.muli %add3A, %mul3A_9 : i32
    %dma_wait3A = tpu.memref_slice %arg3[%mul3A_10] : memref<320000xi32, #tpu.memory_space<hbm>> -> memref<10000xi32, #tpu.memory_space<hbm>>
    %dma_wait3A_11 = tpu.memref_slice %arg3[%mul3A_10] : memref<320000xi32, #tpu.memory_space<hbm>> -> memref<10000xi32, #tpu.memory_space<hbm>>
    tpu.wait_dma2 semaphore(%arg12 : memref<!tpu.dma_semaphore, #tpu.memory_space<semaphore_mem>>) src(%dma_wait3A_11 : memref<10000xi32, #tpu.memory_space<hbm>>) dst(%arg6 : memref<10000xi32, #tpu.memory_space<vmem>>)
    %mul3A_12 = arith.constant 10000 : i32
    %mul3A_13 = arith.muli %add3A, %mul3A_12 : i32
    %add3A_14 = arith.constant 0 : i32
    %add3A_15 = arith.addi %mul3A_13, %add3A_14 : i32
    %dma_start3A_16 = arith.constant 1 : i32
    %dma_start3A_17 = arith.constant 0 : i32
    %dma_start3A_18 = tpu.memref_slice %arg7[%dma_start3A_16, %dma_start3A_17] : memref<8x80xi32, #tpu.memory_space<vmem>> -> memref<1x80xi32, #tpu.memory_space<vmem>>
    %dma_start3A_19 = tpu.memref_squeeze %dma_start3A_18 : memref<1x80xi32, #tpu.memory_space<vmem>> -> memref<80xi32, #tpu.memory_space<vmem>>
    %dma_start3A_20 = tpu.memref_slice %arg4[%add3A_15] : memref<320000xi32, #tpu.memory_space<hbm>> -> memref<80xi32, #tpu.memory_space<hbm>>
    %dma_start3A_21 = arith.constant 0 : i32
    %dma_start3A_22 = tpu.memref_slice %arg7[%dma_start3A_16, %dma_start3A_21] : memref<8x80xi32, #tpu.memory_space<vmem>> -> memref<1x80xi32, #tpu.memory_space<vmem>>
    %dma_start3A_23 = tpu.memref_squeeze %dma_start3A_22 : memref<1x80xi32, #tpu.memory_space<vmem>> -> memref<80xi32, #tpu.memory_space<vmem>>
    %dma_start3A_24 = tpu.memref_slice %arg4[%add3A_15] : memref<320000xi32, #tpu.memory_space<hbm>> -> memref<80xi32, #tpu.memory_space<hbm>>
    tpu.enqueue_dma source(%dma_start3A_24 : memref<80xi32, #tpu.memory_space<hbm>>) target(%dma_start3A_23 : memref<80xi32, #tpu.memory_space<vmem>>) target_semaphore(%arg13 : memref<!tpu.dma_semaphore, #tpu.memory_space<semaphore_mem>>)
    %dma_start3A_25 = arith.constant 0 : i32
    %dma_start3A_26 = tpu.memref_slice %arg6[%dma_start3A_25] : memref<10000xi32, #tpu.memory_space<vmem>> -> memref<80xi32, #tpu.memory_space<vmem>>
    %dma_start3A_27 = arith.constant 0 : i32
    %dma_start3A_28 = arith.constant 0 : i32
    %dma_start3A_29 = tpu.memref_slice %arg2[%dma_start3A_27, %dma_start3A_28] : memref<10000x128xf32, #tpu.memory_space<hbm>> -> memref<10000x128xf32, #tpu.memory_space<hbm>>
    tpu.enqueue_indirect_dma source(%dma_start3A_29 : memref<10000x128xf32, #tpu.memory_space<hbm>>) target(%arg9 : memref<80x128xf32, #tpu.memory_space<vmem>>) offsets(%dma_start3A_26 : memref<80xi32, #tpu.memory_space<vmem>>) semaphore(%arg13 : memref<!tpu.dma_semaphore, #tpu.memory_space<semaphore_mem>>)
    %mul3A_30 = arith.constant 10000 : i32
    %mul3A_31 = arith.muli %add3A, %mul3A_30 : i32
    %add3A_32 = arith.constant 80 : i32
    %add3A_33 = arith.addi %mul3A_31, %add3A_32 : i32
    %dma_start3A_34 = arith.constant 2 : i32
    %dma_start3A_35 = arith.constant 0 : i32
    %dma_start3A_36 = tpu.memref_slice %arg7[%dma_start3A_34, %dma_start3A_35] : memref<8x80xi32, #tpu.memory_space<vmem>> -> memref<1x80xi32, #tpu.memory_space<vmem>>
    %dma_start3A_37 = tpu.memref_squeeze %dma_start3A_36 : memref<1x80xi32, #tpu.memory_space<vmem>> -> memref<80xi32, #tpu.memory_space<vmem>>
    %dma_start3A_38 = tpu.memref_slice %arg4[%add3A_33] : memref<320000xi32, #tpu.memory_space<hbm>> -> memref<80xi32, #tpu.memory_space<hbm>>
    %dma_start3A_39 = arith.constant 0 : i32
    %dma_start3A_40 = tpu.memref_slice %arg7[%dma_start3A_34, %dma_start3A_39] : memref<8x80xi32, #tpu.memory_space<vmem>> -> memref<1x80xi32, #tpu.memory_space<vmem>>
    %dma_start3A_41 = tpu.memref_squeeze %dma_start3A_40 : memref<1x80xi32, #tpu.memory_space<vmem>> -> memref<80xi32, #tpu.memory_space<vmem>>
    %dma_start3A_42 = tpu.memref_slice %arg4[%add3A_33] : memref<320000xi32, #tpu.memory_space<hbm>> -> memref<80xi32, #tpu.memory_space<hbm>>
    tpu.enqueue_dma source(%dma_start3A_42 : memref<80xi32, #tpu.memory_space<hbm>>) target(%dma_start3A_41 : memref<80xi32, #tpu.memory_space<vmem>>) target_semaphore(%arg14 : memref<!tpu.dma_semaphore, #tpu.memory_space<semaphore_mem>>)
    %dma_start3A_43 = arith.constant 80 : i32
    %dma_start3A_44 = tpu.memref_slice %arg6[%dma_start3A_43] : memref<10000xi32, #tpu.memory_space<vmem>> -> memref<80xi32, #tpu.memory_space<vmem>>
    %dma_start3A_45 = arith.constant 0 : i32
    %dma_start3A_46 = arith.constant 0 : i32
    %dma_start3A_47 = tpu.memref_slice %arg2[%dma_start3A_45, %dma_start3A_46] : memref<10000x128xf32, #tpu.memory_space<hbm>> -> memref<10000x128xf32, #tpu.memory_space<hbm>>
    tpu.enqueue_indirect_dma source(%dma_start3A_47 : memref<10000x128xf32, #tpu.memory_space<hbm>>) target(%arg10 : memref<80x128xf32, #tpu.memory_space<vmem>>) offsets(%dma_start3A_44 : memref<80xi32, #tpu.memory_space<vmem>>) semaphore(%arg14 : memref<!tpu.dma_semaphore, #tpu.memory_space<semaphore_mem>>)
    %mul3A_48 = arith.constant 624 : i32
    %mul3A_49 = arith.muli %arg1, %mul3A_48 : i32
    %add3A_50 = arith.constant 0 : i32
    %add3A_51 = arith.addi %mul3A_49, %add3A_50 : i32
    "tpu.region"() ({
      %run_scoped3A_113 = tpu.sem_alloc : memref<!tpu.dma_semaphore, #tpu.memory_space<semaphore_mem>>
      %dma_start3A_114 = arith.constant 0 : i32
      %dma_start3A_115 = tpu.memref_slice %arg11[%add3A_51, %dma_start3A_114] : memref<10000x128xf32, #tpu.memory_space<vmem_shared>> -> memref<80x128xf32, #tpu.memory_space<vmem_shared>>
      %dma_start3A_116 = arith.constant 0 : i32
      %dma_start3A_117 = tpu.memref_slice %arg11[%add3A_51, %dma_start3A_116] : memref<10000x128xf32, #tpu.memory_space<vmem_shared>> -> memref<80x128xf32, #tpu.memory_space<vmem_shared>>
      tpu.enqueue_dma source(%arg8 : memref<80x128xf32, #tpu.memory_space<vmem>>) target(%dma_start3A_117 : memref<80x128xf32, #tpu.memory_space<vmem_shared>>) target_semaphore(%run_scoped3A_113 : memref<!tpu.dma_semaphore, #tpu.memory_space<semaphore_mem>>)
      %dma_wait3A_118 = arith.constant 0 : i32
      %dma_wait3A_119 = tpu.memref_slice %arg11[%add3A_51, %dma_wait3A_118] : memref<10000x128xf32, #tpu.memory_space<vmem_shared>> -> memref<80x128xf32, #tpu.memory_space<vmem_shared>>
      %dma_wait3A_120 = arith.constant 0 : i32
      %dma_wait3A_121 = tpu.memref_slice %arg11[%add3A_51, %dma_wait3A_120] : memref<10000x128xf32, #tpu.memory_space<vmem_shared>> -> memref<80x128xf32, #tpu.memory_space<vmem_shared>>
      tpu.wait_dma2 semaphore(%run_scoped3A_113 : memref<!tpu.dma_semaphore, #tpu.memory_space<semaphore_mem>>) src(%arg8 : memref<80x128xf32, #tpu.memory_space<vmem>>) dst(%dma_wait3A_121 : memref<80x128xf32, #tpu.memory_space<vmem_shared>>)
      tpu.yield
    }) : () -> ()
    %add3A_52 = arith.constant 80 : i32
    %add3A_53 = arith.addi %mul3A_49, %add3A_52 : i32
    "tpu.region"() ({
      %run_scoped3A_113 = tpu.sem_alloc : memref<!tpu.dma_semaphore, #tpu.memory_space<semaphore_mem>>
      %dma_start3A_114 = arith.constant 0 : i32
      %dma_start3A_115 = tpu.memref_slice %arg11[%add3A_53, %dma_start3A_114] : memref<10000x128xf32, #tpu.memory_space<vmem_shared>> -> memref<80x128xf32, #tpu.memory_space<vmem_shared>>
      %dma_start3A_116 = arith.constant 0 : i32
      %dma_start3A_117 = tpu.memref_slice %arg11[%add3A_53, %dma_start3A_116] : memref<10000x128xf32, #tpu.memory_space<vmem_shared>> -> memref<80x128xf32, #tpu.memory_space<vmem_shared>>
      tpu.enqueue_dma source(%arg8 : memref<80x128xf32, #tpu.memory_space<vmem>>) target(%dma_start3A_117 : memref<80x128xf32, #tpu.memory_space<vmem_shared>>) target_semaphore(%run_scoped3A_113 : memref<!tpu.dma_semaphore, #tpu.memory_space<semaphore_mem>>)
      %dma_wait3A_118 = arith.constant 0 : i32
      %dma_wait3A_119 = tpu.memref_slice %arg11[%add3A_53, %dma_wait3A_118] : memref<10000x128xf32, #tpu.memory_space<vmem_shared>> -> memref<80x128xf32, #tpu.memory_space<vmem_shared>>
      %dma_wait3A_120 = arith.constant 0 : i32
      %dma_wait3A_121 = tpu.memref_slice %arg11[%add3A_53, %dma_wait3A_120] : memref<10000x128xf32, #tpu.memory_space<vmem_shared>> -> memref<80x128xf32, #tpu.memory_space<vmem_shared>>
      tpu.wait_dma2 semaphore(%run_scoped3A_113 : memref<!tpu.dma_semaphore, #tpu.memory_space<semaphore_mem>>) src(%arg8 : memref<80x128xf32, #tpu.memory_space<vmem>>) dst(%dma_wait3A_121 : memref<80x128xf32, #tpu.memory_space<vmem_shared>>)
      tpu.yield
    }) : () -> ()
    %add3A_54 = arith.constant 160 : i32
    %add3A_55 = arith.addi %mul3A_49, %add3A_54 : i32
    "tpu.region"() ({
      %run_scoped3A_113 = tpu.sem_alloc : memref<!tpu.dma_semaphore, #tpu.memory_space<semaphore_mem>>
      %dma_start3A_114 = arith.constant 0 : i32
      %dma_start3A_115 = tpu.memref_slice %arg11[%add3A_55, %dma_start3A_114] : memref<10000x128xf32, #tpu.memory_space<vmem_shared>> -> memref<80x128xf32, #tpu.memory_space<vmem_shared>>
      %dma_start3A_116 = arith.constant 0 : i32
      %dma_start3A_117 = tpu.memref_slice %arg11[%add3A_55, %dma_start3A_116] : memref<10000x128xf32, #tpu.memory_space<vmem_shared>> -> memref<80x128xf32, #tpu.memory_space<vmem_shared>>
      tpu.enqueue_dma source(%arg8 : memref<80x128xf32, #tpu.memory_space<vmem>>) target(%dma_start3A_117 : memref<80x128xf32, #tpu.memory_space<vmem_shared>>) target_semaphore(%run_scoped3A_113 : memref<!tpu.dma_semaphore, #tpu.memory_space<semaphore_mem>>)
      %dma_wait3A_118 = arith.constant 0 : i32
      %dma_wait3A_119 = tpu.memref_slice %arg11[%add3A_55, %dma_wait3A_118] : memref<10000x128xf32, #tpu.memory_space<vmem_shared>> -> memref<80x128xf32, #tpu.memory_space<vmem_shared>>
      %dma_wait3A_120 = arith.constant 0 : i32
      %dma_wait3A_121 = tpu.memref_slice %arg11[%add3A_55, %dma_wait3A_120] : memref<10000x128xf32, #tpu.memory_space<vmem_shared>> -> memref<80x128xf32, #tpu.memory_space<vmem_shared>>
      tpu.wait_dma2 semaphore(%run_scoped3A_113 : memref<!tpu.dma_semaphore, #tpu.memory_space<semaphore_mem>>) src(%arg8 : memref<80x128xf32, #tpu.memory_space<vmem>>) dst(%dma_wait3A_121 : memref<80x128xf32, #tpu.memory_space<vmem_shared>>)
      tpu.yield
    }) : () -> ()
    %add3A_56 = arith.constant 240 : i32
    %add3A_57 = arith.addi %mul3A_49, %add3A_56 : i32
    "tpu.region"() ({
      %run_scoped3A_113 = tpu.sem_alloc : memref<!tpu.dma_semaphore, #tpu.memory_space<semaphore_mem>>
      %dma_start3A_114 = arith.constant 0 : i32
      %dma_start3A_115 = tpu.memref_slice %arg11[%add3A_57, %dma_start3A_114] : memref<10000x128xf32, #tpu.memory_space<vmem_shared>> -> memref<80x128xf32, #tpu.memory_space<vmem_shared>>
      %dma_start3A_116 = arith.constant 0 : i32
      %dma_start3A_117 = tpu.memref_slice %arg11[%add3A_57, %dma_start3A_116] : memref<10000x128xf32, #tpu.memory_space<vmem_shared>> -> memref<80x128xf32, #tpu.memory_space<vmem_shared>>
      tpu.enqueue_dma source(%arg8 : memref<80x128xf32, #tpu.memory_space<vmem>>) target(%dma_start3A_117 : memref<80x128xf32, #tpu.memory_space<vmem_shared>>) target_semaphore(%run_scoped3A_113 : memref<!tpu.dma_semaphore, #tpu.memory_space<semaphore_mem>>)
      %dma_wait3A_118 = arith.constant 0 : i32
      %dma_wait3A_119 = tpu.memref_slice %arg11[%add3A_57, %dma_wait3A_118] : memref<10000x128xf32, #tpu.memory_space<vmem_shared>> -> memref<80x128xf32, #tpu.memory_space<vmem_shared>>
      %dma_wait3A_120 = arith.constant 0 : i32
      %dma_wait3A_121 = tpu.memref_slice %arg11[%add3A_57, %dma_wait3A_120] : memref<10000x128xf32, #tpu.memory_space<vmem_shared>> -> memref<80x128xf32, #tpu.memory_space<vmem_shared>>
      tpu.wait_dma2 semaphore(%run_scoped3A_113 : memref<!tpu.dma_semaphore, #tpu.memory_space<semaphore_mem>>) src(%arg8 : memref<80x128xf32, #tpu.memory_space<vmem>>) dst(%dma_wait3A_121 : memref<80x128xf32, #tpu.memory_space<vmem_shared>>)
      tpu.yield
    }) : () -> ()
    %add3A_58 = arith.constant 320 : i32
    %add3A_59 = arith.addi %mul3A_49, %add3A_58 : i32
    "tpu.region"() ({
      %run_scoped3A_113 = tpu.sem_alloc : memref<!tpu.dma_semaphore, #tpu.memory_space<semaphore_mem>>
      %dma_start3A_114 = arith.constant 0 : i32
      %dma_start3A_115 = tpu.memref_slice %arg11[%add3A_59, %dma_start3A_114] : memref<10000x128xf32, #tpu.memory_space<vmem_shared>> -> memref<80x128xf32, #tpu.memory_space<vmem_shared>>
      %dma_start3A_116 = arith.constant 0 : i32
      %dma_start3A_117 = tpu.memref_slice %arg11[%add3A_59, %dma_start3A_116] : memref<10000x128xf32, #tpu.memory_space<vmem_shared>> -> memref<80x128xf32, #tpu.memory_space<vmem_shared>>
      tpu.enqueue_dma source(%arg8 : memref<80x128xf32, #tpu.memory_space<vmem>>) target(%dma_start3A_117 : memref<80x128xf32, #tpu.memory_space<vmem_shared>>) target_semaphore(%run_scoped3A_113 : memref<!tpu.dma_semaphore, #tpu.memory_space<semaphore_mem>>)
      %dma_wait3A_118 = arith.constant 0 : i32
      %dma_wait3A_119 = tpu.memref_slice %arg11[%add3A_59, %dma_wait3A_118] : memref<10000x128xf32, #tpu.memory_space<vmem_shared>> -> memref<80x128xf32, #tpu.memory_space<vmem_shared>>
      %dma_wait3A_120 = arith.constant 0 : i32
      %dma_wait3A_121 = tpu.memref_slice %arg11[%add3A_59, %dma_wait3A_120] : memref<10000x128xf32, #tpu.memory_space<vmem_shared>> -> memref<80x128xf32, #tpu.memory_space<vmem_shared>>
      tpu.wait_dma2 semaphore(%run_scoped3A_113 : memref<!tpu.dma_semaphore, #tpu.memory_space<semaphore_mem>>) src(%arg8 : memref<80x128xf32, #tpu.memory_space<vmem>>) dst(%dma_wait3A_121 : memref<80x128xf32, #tpu.memory_space<vmem_shared>>)
      tpu.yield
    }) : () -> ()
    %add3A_60 = arith.constant 400 : i32
    %add3A_61 = arith.addi %mul3A_49, %add3A_60 : i32
    "tpu.region"() ({
      %run_scoped3A_113 = tpu.sem_alloc : memref<!tpu.dma_semaphore, #tpu.memory_space<semaphore_mem>>
      %dma_start3A_114 = arith.constant 0 : i32
      %dma_start3A_115 = tpu.memref_slice %arg11[%add3A_61, %dma_start3A_114] : memref<10000x128xf32, #tpu.memory_space<vmem_shared>> -> memref<80x128xf32, #tpu.memory_space<vmem_shared>>
      %dma_start3A_116 = arith.constant 0 : i32
      %dma_start3A_117 = tpu.memref_slice %arg11[%add3A_61, %dma_start3A_116] : memref<10000x128xf32, #tpu.memory_space<vmem_shared>> -> memref<80x128xf32, #tpu.memory_space<vmem_shared>>
      tpu.enqueue_dma source(%arg8 : memref<80x128xf32, #tpu.memory_space<vmem>>) target(%dma_start3A_117 : memref<80x128xf32, #tpu.memory_space<vmem_shared>>) target_semaphore(%run_scoped3A_113 : memref<!tpu.dma_semaphore, #tpu.memory_space<semaphore_mem>>)
      %dma_wait3A_118 = arith.constant 0 : i32
      %dma_wait3A_119 = tpu.memref_slice %arg11[%add3A_61, %dma_wait3A_118] : memref<10000x128xf32, #tpu.memory_space<vmem_shared>> -> memref<80x128xf32, #tpu.memory_space<vmem_shared>>
      %dma_wait3A_120 = arith.constant 0 : i32
      %dma_wait3A_121 = tpu.memref_slice %arg11[%add3A_61, %dma_wait3A_120] : memref<10000x128xf32, #tpu.memory_space<vmem_shared>> -> memref<80x128xf32, #tpu.memory_space<vmem_shared>>
      tpu.wait_dma2 semaphore(%run_scoped3A_113 : memref<!tpu.dma_semaphore, #tpu.memory_space<semaphore_mem>>) src(%arg8 : memref<80x128xf32, #tpu.memory_space<vmem>>) dst(%dma_wait3A_121 : memref<80x128xf32, #tpu.memory_space<vmem_shared>>)
      tpu.yield
    }) : () -> ()
    %add3A_62 = arith.constant 480 : i32
    %add3A_63 = arith.addi %mul3A_49, %add3A_62 : i32
    "tpu.region"() ({
      %run_scoped3A_113 = tpu.sem_alloc : memref<!tpu.dma_semaphore, #tpu.memory_space<semaphore_mem>>
      %dma_start3A_114 = arith.constant 0 : i32
      %dma_start3A_115 = tpu.memref_slice %arg11[%add3A_63, %dma_start3A_114] : memref<10000x128xf32, #tpu.memory_space<vmem_shared>> -> memref<80x128xf32, #tpu.memory_space<vmem_shared>>
      %dma_start3A_116 = arith.constant 0 : i32
      %dma_start3A_117 = tpu.memref_slice %arg11[%add3A_63, %dma_start3A_116] : memref<10000x128xf32, #tpu.memory_space<vmem_shared>> -> memref<80x128xf32, #tpu.memory_space<vmem_shared>>
      tpu.enqueue_dma source(%arg8 : memref<80x128xf32, #tpu.memory_space<vmem>>) target(%dma_start3A_117 : memref<80x128xf32, #tpu.memory_space<vmem_shared>>) target_semaphore(%run_scoped3A_113 : memref<!tpu.dma_semaphore, #tpu.memory_space<semaphore_mem>>)
      %dma_wait3A_118 = arith.constant 0 : i32
      %dma_wait3A_119 = tpu.memref_slice %arg11[%add3A_63, %dma_wait3A_118] : memref<10000x128xf32, #tpu.memory_space<vmem_shared>> -> memref<80x128xf32, #tpu.memory_space<vmem_shared>>
      %dma_wait3A_120 = arith.constant 0 : i32
      %dma_wait3A_121 = tpu.memref_slice %arg11[%add3A_63, %dma_wait3A_120] : memref<10000x128xf32, #tpu.memory_space<vmem_shared>> -> memref<80x128xf32, #tpu.memory_space<vmem_shared>>
      tpu.wait_dma2 semaphore(%run_scoped3A_113 : memref<!tpu.dma_semaphore, #tpu.memory_space<semaphore_mem>>) src(%arg8 : memref<80x128xf32, #tpu.memory_space<vmem>>) dst(%dma_wait3A_121 : memref<80x128xf32, #tpu.memory_space<vmem_shared>>)
      tpu.yield
    }) : () -> ()
    %add3A_64 = arith.constant 560 : i32
    %add3A_65 = arith.addi %mul3A_49, %add3A_64 : i32
    "tpu.region"() ({
      %run_scoped3A_113 = tpu.sem_alloc : memref<!tpu.dma_semaphore, #tpu.memory_space<semaphore_mem>>
      %dma_start3A_114 = arith.constant 0 : i32
      %dma_start3A_115 = tpu.memref_slice %arg11[%add3A_65, %dma_start3A_114] : memref<10000x128xf32, #tpu.memory_space<vmem_shared>> -> memref<80x128xf32, #tpu.memory_space<vmem_shared>>
      %dma_start3A_116 = arith.constant 0 : i32
      %dma_start3A_117 = tpu.memref_slice %arg11[%add3A_65, %dma_start3A_116] : memref<10000x128xf32, #tpu.memory_space<vmem_shared>> -> memref<80x128xf32, #tpu.memory_space<vmem_shared>>
      tpu.enqueue_dma source(%arg8 : memref<80x128xf32, #tpu.memory_space<vmem>>) target(%dma_start3A_117 : memref<80x128xf32, #tpu.memory_space<vmem_shared>>) target_semaphore(%run_scoped3A_113 : memref<!tpu.dma_semaphore, #tpu.memory_space<semaphore_mem>>)
      %dma_wait3A_118 = arith.constant 0 : i32
      %dma_wait3A_119 = tpu.memref_slice %arg11[%add3A_65, %dma_wait3A_118] : memref<10000x128xf32, #tpu.memory_space<vmem_shared>> -> memref<80x128xf32, #tpu.memory_space<vmem_shared>>
      %dma_wait3A_120 = arith.constant 0 : i32
      %dma_wait3A_121 = tpu.memref_slice %arg11[%add3A_65, %dma_wait3A_120] : memref<10000x128xf32, #tpu.memory_space<vmem_shared>> -> memref<80x128xf32, #tpu.memory_space<vmem_shared>>
      tpu.wait_dma2 semaphore(%run_scoped3A_113 : memref<!tpu.dma_semaphore, #tpu.memory_space<semaphore_mem>>) src(%arg8 : memref<80x128xf32, #tpu.memory_space<vmem>>) dst(%dma_wait3A_121 : memref<80x128xf32, #tpu.memory_space<vmem_shared>>)
      tpu.yield
    }) : () -> ()
    %barrier3A = arith.constant 0 : index
    tpu.barrier barrier_id(%barrier3A)
    %scan3A_66 = arith.constant 0 : i32
    %scan3A_67 = arith.constant 0 : i32
    %scan3A_68 = arith.constant 41 : i32
    %scan3A_69 = arith.addi %scan3A_67, %scan3A_68 : i32
    %scan3A_70 = arith.constant 1 : i32
    scf.for %scan3A_113 = %scan3A_67 to %scan3A_69 step %scan3A_70  : i32 {
      %mul3A_114 = arith.constant 3 : i32
      %mul3A_115 = arith.muli %mul3A_114, %scan3A_113 : i32
      %add3A_116 = arith.constant 2 : i32
      %add3A_117 = arith.addi %mul3A_115, %add3A_116 : i32
      %mul3A_118 = arith.constant 10000 : i32
      %mul3A_119 = arith.muli %add3A, %mul3A_118 : i32
      %mul3A_120 = arith.constant 80 : i32
      %mul3A_121 = arith.muli %add3A_117, %mul3A_120 : i32
      %add3A_122 = arith.addi %mul3A_119, %mul3A_121 : i32
      %dma_start3A_123 = arith.constant 0 : i32
      %dma_start3A_124 = arith.constant 0 : i32
      %dma_start3A_125 = tpu.memref_slice %arg7[%dma_start3A_123, %dma_start3A_124] : memref<8x80xi32, #tpu.memory_space<vmem>> -> memref<1x80xi32, #tpu.memory_space<vmem>>
      %dma_start3A_126 = tpu.memref_squeeze %dma_start3A_125 : memref<1x80xi32, #tpu.memory_space<vmem>> -> memref<80xi32, #tpu.memory_space<vmem>>
      %dma_start3A_127 = tpu.memref_slice %arg4[%add3A_122] : memref<320000xi32, #tpu.memory_space<hbm>> -> memref<80xi32, #tpu.memory_space<hbm>>
      %dma_start3A_128 = arith.constant 0 : i32
      %dma_start3A_129 = tpu.memref_slice %arg7[%dma_start3A_123, %dma_start3A_128] : memref<8x80xi32, #tpu.memory_space<vmem>> -> memref<1x80xi32, #tpu.memory_space<vmem>>
      %dma_start3A_130 = tpu.memref_squeeze %dma_start3A_129 : memref<1x80xi32, #tpu.memory_space<vmem>> -> memref<80xi32, #tpu.memory_space<vmem>>
      %dma_start3A_131 = tpu.memref_slice %arg4[%add3A_122] : memref<320000xi32, #tpu.memory_space<hbm>> -> memref<80xi32, #tpu.memory_space<hbm>>
      tpu.enqueue_dma source(%dma_start3A_131 : memref<80xi32, #tpu.memory_space<hbm>>) target(%dma_start3A_130 : memref<80xi32, #tpu.memory_space<vmem>>) target_semaphore(%arg12 : memref<!tpu.dma_semaphore, #tpu.memory_space<semaphore_mem>>)
      %mul3A_132 = arith.constant 80 : i32
      %mul3A_133 = arith.muli %add3A_117, %mul3A_132 : i32
      %dma_start3A_134 = tpu.memref_slice %arg6[%mul3A_133] : memref<10000xi32, #tpu.memory_space<vmem>> -> memref<80xi32, #tpu.memory_space<vmem>>
      %dma_start3A_135 = arith.constant 0 : i32
      %dma_start3A_136 = arith.constant 0 : i32
      %dma_start3A_137 = tpu.memref_slice %arg2[%dma_start3A_135, %dma_start3A_136] : memref<10000x128xf32, #tpu.memory_space<hbm>> -> memref<10000x128xf32, #tpu.memory_space<hbm>>
      tpu.enqueue_indirect_dma source(%dma_start3A_137 : memref<10000x128xf32, #tpu.memory_space<hbm>>) target(%arg8 : memref<80x128xf32, #tpu.memory_space<vmem>>) offsets(%dma_start3A_134 : memref<80xi32, #tpu.memory_space<vmem>>) semaphore(%arg12 : memref<!tpu.dma_semaphore, #tpu.memory_space<semaphore_mem>>)
      %mul3A_138 = arith.constant 10000 : i32
      %mul3A_139 = arith.muli %add3A, %mul3A_138 : i32
      %mul3A_140 = arith.constant 80 : i32
      %mul3A_141 = arith.muli %mul3A_115, %mul3A_140 : i32
      %add3A_142 = arith.addi %mul3A_139, %mul3A_141 : i32
      %dma_wait3A_143 = arith.constant 1 : i32
      %dma_wait3A_144 = arith.constant 0 : i32
      %dma_wait3A_145 = tpu.memref_slice %arg7[%dma_wait3A_143, %dma_wait3A_144] : memref<8x80xi32, #tpu.memory_space<vmem>> -> memref<1x80xi32, #tpu.memory_space<vmem>>
      %dma_wait3A_146 = tpu.memref_squeeze %dma_wait3A_145 : memref<1x80xi32, #tpu.memory_space<vmem>> -> memref<80xi32, #tpu.memory_space<vmem>>
      %dma_wait3A_147 = tpu.memref_slice %arg4[%add3A_142] : memref<320000xi32, #tpu.memory_space<hbm>> -> memref<80xi32, #tpu.memory_space<hbm>>
      %dma_wait3A_148 = arith.constant 0 : i32
      %dma_wait3A_149 = tpu.memref_slice %arg7[%dma_wait3A_143, %dma_wait3A_148] : memref<8x80xi32, #tpu.memory_space<vmem>> -> memref<1x80xi32, #tpu.memory_space<vmem>>
      %dma_wait3A_150 = tpu.memref_squeeze %dma_wait3A_149 : memref<1x80xi32, #tpu.memory_space<vmem>> -> memref<80xi32, #tpu.memory_space<vmem>>
      %dma_wait3A_151 = tpu.memref_slice %arg4[%add3A_142] : memref<320000xi32, #tpu.memory_space<hbm>> -> memref<80xi32, #tpu.memory_space<hbm>>
      tpu.wait_dma2 semaphore(%arg13 : memref<!tpu.dma_semaphore, #tpu.memory_space<semaphore_mem>>) src(%dma_wait3A_151 : memref<80xi32, #tpu.memory_space<hbm>>) dst(%dma_wait3A_150 : memref<80xi32, #tpu.memory_space<vmem>>)
      %mul3A_152 = arith.constant 80 : i32
      %mul3A_153 = arith.muli %mul3A_115, %mul3A_152 : i32
      %dma_wait3A_154 = tpu.memref_slice %arg6[%mul3A_153] : memref<10000xi32, #tpu.memory_space<vmem>> -> memref<80xi32, #tpu.memory_space<vmem>>
      %dma_wait3A_155 = arith.constant 0 : i32
      %dma_wait3A_156 = arith.constant 0 : i32
      %dma_wait3A_157 = tpu.memref_slice %arg2[%dma_wait3A_155, %dma_wait3A_156] : memref<10000x128xf32, #tpu.memory_space<hbm>> -> memref<10000x128xf32, #tpu.memory_space<hbm>>
      tpu.wait_indirect_dma semaphore(%arg13 : memref<!tpu.dma_semaphore, #tpu.memory_space<semaphore_mem>>) src(%dma_wait3A_157 : memref<10000x128xf32, #tpu.memory_space<hbm>>) dst(%arg9 : memref<80x128xf32, #tpu.memory_space<vmem>>)
      %run_scoped3A_158 = arith.constant 1 : i32
      "tpu.region"() ({
        %run_scoped3A_249 = tpu.sem_alloc : memref<!tpu.dma_semaphore, #tpu.memory_space<semaphore_mem>>
        %dma_start3A_250 = arith.constant 0 : i32
        %dma_start3A_251 = tpu.memref_slice %arg7[%run_scoped3A_158, %dma_start3A_250] : memref<8x80xi32, #tpu.memory_space<vmem>> -> memref<1x80xi32, #tpu.memory_space<vmem>>
        %dma_start3A_252 = tpu.memref_squeeze %dma_start3A_251 : memref<1x80xi32, #tpu.memory_space<vmem>> -> memref<80xi32, #tpu.memory_space<vmem>>
        %dma_start3A_253 = arith.constant 0 : i32
        %dma_start3A_254 = arith.constant 0 : i32
        %dma_start3A_255 = tpu.memref_slice %arg11[%dma_start3A_253, %dma_start3A_254] : memref<10000x128xf32, #tpu.memory_space<vmem_shared>> -> memref<10000x128xf32, #tpu.memory_space<vmem_shared>>
        tpu.enqueue_indirect_dma source(%arg9 : memref<80x128xf32, #tpu.memory_space<vmem>>) target(%dma_start3A_255 : memref<10000x128xf32, #tpu.memory_space<vmem_shared>>) offsets(%dma_start3A_252 : memref<80xi32, #tpu.memory_space<vmem>>) semaphore(%run_scoped3A_249 : memref<!tpu.dma_semaphore, #tpu.memory_space<semaphore_mem>>) {add = true}
        %dma_wait3A_256 = arith.constant 0 : i32
        %dma_wait3A_257 = tpu.memref_slice %arg7[%run_scoped3A_158, %dma_wait3A_256] : memref<8x80xi32, #tpu.memory_space<vmem>> -> memref<1x80xi32, #tpu.memory_space<vmem>>
        %dma_wait3A_258 = tpu.memref_squeeze %dma_wait3A_257 : memref<1x80xi32, #tpu.memory_space<vmem>> -> memref<80xi32, #tpu.memory_space<vmem>>
        %dma_wait3A_259 = arith.constant 0 : i32
        %dma_wait3A_260 = arith.constant 0 : i32
        %dma_wait3A_261 = tpu.memref_slice %arg11[%dma_wait3A_259, %dma_wait3A_260] : memref<10000x128xf32, #tpu.memory_space<vmem_shared>> -> memref<10000x128xf32, #tpu.memory_space<vmem_shared>>
        tpu.wait_indirect_dma semaphore(%run_scoped3A_249 : memref<!tpu.dma_semaphore, #tpu.memory_space<semaphore_mem>>) src(%arg9 : memref<80x128xf32, #tpu.memory_space<vmem>>) dst(%dma_wait3A_261 : memref<10000x128xf32, #tpu.memory_space<vmem_shared>>)
        tpu.yield
      }) : () -> ()
      %add3A_159 = arith.constant 3 : i32
      %add3A_160 = arith.addi %mul3A_115, %add3A_159 : i32
      %mul3A_161 = arith.constant 10000 : i32
      %mul3A_162 = arith.muli %add3A, %mul3A_161 : i32
      %mul3A_163 = arith.constant 80 : i32
      %mul3A_164 = arith.muli %add3A_160, %mul3A_163 : i32
      %add3A_165 = arith.addi %mul3A_162, %mul3A_164 : i32
      %dma_start3A_166 = arith.constant 1 : i32
      %dma_start3A_167 = arith.constant 0 : i32
      %dma_start3A_168 = tpu.memref_slice %arg7[%dma_start3A_166, %dma_start3A_167] : memref<8x80xi32, #tpu.memory_space<vmem>> -> memref<1x80xi32, #tpu.memory_space<vmem>>
      %dma_start3A_169 = tpu.memref_squeeze %dma_start3A_168 : memref<1x80xi32, #tpu.memory_space<vmem>> -> memref<80xi32, #tpu.memory_space<vmem>>
      %dma_start3A_170 = tpu.memref_slice %arg4[%add3A_165] : memref<320000xi32, #tpu.memory_space<hbm>> -> memref<80xi32, #tpu.memory_space<hbm>>
      %dma_start3A_171 = arith.constant 0 : i32
      %dma_start3A_172 = tpu.memref_slice %arg7[%dma_start3A_166, %dma_start3A_171] : memref<8x80xi32, #tpu.memory_space<vmem>> -> memref<1x80xi32, #tpu.memory_space<vmem>>
      %dma_start3A_173 = tpu.memref_squeeze %dma_start3A_172 : memref<1x80xi32, #tpu.memory_space<vmem>> -> memref<80xi32, #tpu.memory_space<vmem>>
      %dma_start3A_174 = tpu.memref_slice %arg4[%add3A_165] : memref<320000xi32, #tpu.memory_space<hbm>> -> memref<80xi32, #tpu.memory_space<hbm>>
      tpu.enqueue_dma source(%dma_start3A_174 : memref<80xi32, #tpu.memory_space<hbm>>) target(%dma_start3A_173 : memref<80xi32, #tpu.memory_space<vmem>>) target_semaphore(%arg13 : memref<!tpu.dma_semaphore, #tpu.memory_space<semaphore_mem>>)
      %mul3A_175 = arith.constant 80 : i32
      %mul3A_176 = arith.muli %add3A_160, %mul3A_175 : i32
      %dma_start3A_177 = tpu.memref_slice %arg6[%mul3A_176] : memref<10000xi32, #tpu.memory_space<vmem>> -> memref<80xi32, #tpu.memory_space<vmem>>
      %dma_start3A_178 = arith.constant 0 : i32
      %dma_start3A_179 = arith.constant 0 : i32
      %dma_start3A_180 = tpu.memref_slice %arg2[%dma_start3A_178, %dma_start3A_179] : memref<10000x128xf32, #tpu.memory_space<hbm>> -> memref<10000x128xf32, #tpu.memory_space<hbm>>
      tpu.enqueue_indirect_dma source(%dma_start3A_180 : memref<10000x128xf32, #tpu.memory_space<hbm>>) target(%arg9 : memref<80x128xf32, #tpu.memory_space<vmem>>) offsets(%dma_start3A_177 : memref<80xi32, #tpu.memory_space<vmem>>) semaphore(%arg13 : memref<!tpu.dma_semaphore, #tpu.memory_space<semaphore_mem>>)
      %add3A_181 = arith.constant 1 : i32
      %add3A_182 = arith.addi %mul3A_115, %add3A_181 : i32
      %mul3A_183 = arith.constant 10000 : i32
      %mul3A_184 = arith.muli %add3A, %mul3A_183 : i32
      %mul3A_185 = arith.constant 80 : i32
      %mul3A_186 = arith.muli %add3A_182, %mul3A_185 : i32
      %add3A_187 = arith.addi %mul3A_184, %mul3A_186 : i32
      %dma_wait3A_188 = arith.constant 2 : i32
      %dma_wait3A_189 = arith.constant 0 : i32
      %dma_wait3A_190 = tpu.memref_slice %arg7[%dma_wait3A_188, %dma_wait3A_189] : memref<8x80xi32, #tpu.memory_space<vmem>> -> memref<1x80xi32, #tpu.memory_space<vmem>>
      %dma_wait3A_191 = tpu.memref_squeeze %dma_wait3A_190 : memref<1x80xi32, #tpu.memory_space<vmem>> -> memref<80xi32, #tpu.memory_space<vmem>>
      %dma_wait3A_192 = tpu.memref_slice %arg4[%add3A_187] : memref<320000xi32, #tpu.memory_space<hbm>> -> memref<80xi32, #tpu.memory_space<hbm>>
      %dma_wait3A_193 = arith.constant 0 : i32
      %dma_wait3A_194 = tpu.memref_slice %arg7[%dma_wait3A_188, %dma_wait3A_193] : memref<8x80xi32, #tpu.memory_space<vmem>> -> memref<1x80xi32, #tpu.memory_space<vmem>>
      %dma_wait3A_195 = tpu.memref_squeeze %dma_wait3A_194 : memref<1x80xi32, #tpu.memory_space<vmem>> -> memref<80xi32, #tpu.memory_space<vmem>>
      %dma_wait3A_196 = tpu.memref_slice %arg4[%add3A_187] : memref<320000xi32, #tpu.memory_space<hbm>> -> memref<80xi32, #tpu.memory_space<hbm>>
      tpu.wait_dma2 semaphore(%arg14 : memref<!tpu.dma_semaphore, #tpu.memory_space<semaphore_mem>>) src(%dma_wait3A_196 : memref<80xi32, #tpu.memory_space<hbm>>) dst(%dma_wait3A_195 : memref<80xi32, #tpu.memory_space<vmem>>)
      %mul3A_197 = arith.constant 80 : i32
      %mul3A_198 = arith.muli %add3A_182, %mul3A_197 : i32
      %dma_wait3A_199 = tpu.memref_slice %arg6[%mul3A_198] : memref<10000xi32, #tpu.memory_space<vmem>> -> memref<80xi32, #tpu.memory_space<vmem>>
      %dma_wait3A_200 = arith.constant 0 : i32
      %dma_wait3A_201 = arith.constant 0 : i32
      %dma_wait3A_202 = tpu.memref_slice %arg2[%dma_wait3A_200, %dma_wait3A_201] : memref<10000x128xf32, #tpu.memory_space<hbm>> -> memref<10000x128xf32, #tpu.memory_space<hbm>>
      tpu.wait_indirect_dma semaphore(%arg14 : memref<!tpu.dma_semaphore, #tpu.memory_space<semaphore_mem>>) src(%dma_wait3A_202 : memref<10000x128xf32, #tpu.memory_space<hbm>>) dst(%arg10 : memref<80x128xf32, #tpu.memory_space<vmem>>)
      %run_scoped3A_203 = arith.constant 2 : i32
      "tpu.region"() ({
        %run_scoped3A_249 = tpu.sem_alloc : memref<!tpu.dma_semaphore, #tpu.memory_space<semaphore_mem>>
        %dma_start3A_250 = arith.constant 0 : i32
        %dma_start3A_251 = tpu.memref_slice %arg7[%run_scoped3A_203, %dma_start3A_250] : memref<8x80xi32, #tpu.memory_space<vmem>> -> memref<1x80xi32, #tpu.memory_space<vmem>>
        %dma_start3A_252 = tpu.memref_squeeze %dma_start3A_251 : memref<1x80xi32, #tpu.memory_space<vmem>> -> memref<80xi32, #tpu.memory_space<vmem>>
        %dma_start3A_253 = arith.constant 0 : i32
        %dma_start3A_254 = arith.constant 0 : i32
        %dma_start3A_255 = tpu.memref_slice %arg11[%dma_start3A_253, %dma_start3A_254] : memref<10000x128xf32, #tpu.memory_space<vmem_shared>> -> memref<10000x128xf32, #tpu.memory_space<vmem_shared>>
        tpu.enqueue_indirect_dma source(%arg10 : memref<80x128xf32, #tpu.memory_space<vmem>>) target(%dma_start3A_255 : memref<10000x128xf32, #tpu.memory_space<vmem_shared>>) offsets(%dma_start3A_252 : memref<80xi32, #tpu.memory_space<vmem>>) semaphore(%run_scoped3A_249 : memref<!tpu.dma_semaphore, #tpu.memory_space<semaphore_mem>>) {add = true}
        %dma_wait3A_256 = arith.constant 0 : i32
        %dma_wait3A_257 = tpu.memref_slice %arg7[%run_scoped3A_203, %dma_wait3A_256] : memref<8x80xi32, #tpu.memory_space<vmem>> -> memref<1x80xi32, #tpu.memory_space<vmem>>
        %dma_wait3A_258 = tpu.memref_squeeze %dma_wait3A_257 : memref<1x80xi32, #tpu.memory_space<vmem>> -> memref<80xi32, #tpu.memory_space<vmem>>
        %dma_wait3A_259 = arith.constant 0 : i32
        %dma_wait3A_260 = arith.constant 0 : i32
        %dma_wait3A_261 = tpu.memref_slice %arg11[%dma_wait3A_259, %dma_wait3A_260] : memref<10000x128xf32, #tpu.memory_space<vmem_shared>> -> memref<10000x128xf32, #tpu.memory_space<vmem_shared>>
        tpu.wait_indirect_dma semaphore(%run_scoped3A_249 : memref<!tpu.dma_semaphore, #tpu.memory_space<semaphore_mem>>) src(%arg10 : memref<80x128xf32, #tpu.memory_space<vmem>>) dst(%dma_wait3A_261 : memref<10000x128xf32, #tpu.memory_space<vmem_shared>>)
        tpu.yield
      }) : () -> ()
      %add3A_204 = arith.constant 4 : i32
      %add3A_205 = arith.addi %mul3A_115, %add3A_204 : i32
      %mul3A_206 = arith.constant 10000 : i32
      %mul3A_207 = arith.muli %add3A, %mul3A_206 : i32
      %mul3A_208 = arith.constant 80 : i32
      %mul3A_209 = arith.muli %add3A_205, %mul3A_208 : i32
      %add3A_210 = arith.addi %mul3A_207, %mul3A_209 : i32
      %dma_start3A_211 = arith.constant 2 : i32
      %dma_start3A_212 = arith.constant 0 : i32
      %dma_start3A_213 = tpu.memref_slice %arg7[%dma_start3A_211, %dma_start3A_212] : memref<8x80xi32, #tpu.memory_space<vmem>> -> memref<1x80xi32, #tpu.memory_space<vmem>>
      %dma_start3A_214 = tpu.memref_squeeze %dma_start3A_213 : memref<1x80xi32, #tpu.memory_space<vmem>> -> memref<80xi32, #tpu.memory_space<vmem>>
      %dma_start3A_215 = tpu.memref_slice %arg4[%add3A_210] : memref<320000xi32, #tpu.memory_space<hbm>> -> memref<80xi32, #tpu.memory_space<hbm>>
      %dma_start3A_216 = arith.constant 0 : i32
      %dma_start3A_217 = tpu.memref_slice %arg7[%dma_start3A_211, %dma_start3A_216] : memref<8x80xi32, #tpu.memory_space<vmem>> -> memref<1x80xi32, #tpu.memory_space<vmem>>
      %dma_start3A_218 = tpu.memref_squeeze %dma_start3A_217 : memref<1x80xi32, #tpu.memory_space<vmem>> -> memref<80xi32, #tpu.memory_space<vmem>>
      %dma_start3A_219 = tpu.memref_slice %arg4[%add3A_210] : memref<320000xi32, #tpu.memory_space<hbm>> -> memref<80xi32, #tpu.memory_space<hbm>>
      tpu.enqueue_dma source(%dma_start3A_219 : memref<80xi32, #tpu.memory_space<hbm>>) target(%dma_start3A_218 : memref<80xi32, #tpu.memory_space<vmem>>) target_semaphore(%arg14 : memref<!tpu.dma_semaphore, #tpu.memory_space<semaphore_mem>>)
      %mul3A_220 = arith.constant 80 : i32
      %mul3A_221 = arith.muli %add3A_205, %mul3A_220 : i32
      %dma_start3A_222 = tpu.memref_slice %arg6[%mul3A_221] : memref<10000xi32, #tpu.memory_space<vmem>> -> memref<80xi32, #tpu.memory_space<vmem>>
      %dma_start3A_223 = arith.constant 0 : i32
      %dma_start3A_224 = arith.constant 0 : i32
      %dma_start3A_225 = tpu.memref_slice %arg2[%dma_start3A_223, %dma_start3A_224] : memref<10000x128xf32, #tpu.memory_space<hbm>> -> memref<10000x128xf32, #tpu.memory_space<hbm>>
      tpu.enqueue_indirect_dma source(%dma_start3A_225 : memref<10000x128xf32, #tpu.memory_space<hbm>>) target(%arg10 : memref<80x128xf32, #tpu.memory_space<vmem>>) offsets(%dma_start3A_222 : memref<80xi32, #tpu.memory_space<vmem>>) semaphore(%arg14 : memref<!tpu.dma_semaphore, #tpu.memory_space<semaphore_mem>>)
      %add3A_226 = arith.constant 2 : i32
      %add3A_227 = arith.addi %mul3A_115, %add3A_226 : i32
      %mul3A_228 = arith.constant 10000 : i32
      %mul3A_229 = arith.muli %add3A, %mul3A_228 : i32
      %mul3A_230 = arith.constant 80 : i32
      %mul3A_231 = arith.muli %add3A_227, %mul3A_230 : i32
      %add3A_232 = arith.addi %mul3A_229, %mul3A_231 : i32
      %dma_wait3A_233 = arith.constant 0 : i32
      %dma_wait3A_234 = arith.constant 0 : i32
      %dma_wait3A_235 = tpu.memref_slice %arg7[%dma_wait3A_233, %dma_wait3A_234] : memref<8x80xi32, #tpu.memory_space<vmem>> -> memref<1x80xi32, #tpu.memory_space<vmem>>
      %dma_wait3A_236 = tpu.memref_squeeze %dma_wait3A_235 : memref<1x80xi32, #tpu.memory_space<vmem>> -> memref<80xi32, #tpu.memory_space<vmem>>
      %dma_wait3A_237 = tpu.memref_slice %arg4[%add3A_232] : memref<320000xi32, #tpu.memory_space<hbm>> -> memref<80xi32, #tpu.memory_space<hbm>>
      %dma_wait3A_238 = arith.constant 0 : i32
      %dma_wait3A_239 = tpu.memref_slice %arg7[%dma_wait3A_233, %dma_wait3A_238] : memref<8x80xi32, #tpu.memory_space<vmem>> -> memref<1x80xi32, #tpu.memory_space<vmem>>
      %dma_wait3A_240 = tpu.memref_squeeze %dma_wait3A_239 : memref<1x80xi32, #tpu.memory_space<vmem>> -> memref<80xi32, #tpu.memory_space<vmem>>
      %dma_wait3A_241 = tpu.memref_slice %arg4[%add3A_232] : memref<320000xi32, #tpu.memory_space<hbm>> -> memref<80xi32, #tpu.memory_space<hbm>>
      tpu.wait_dma2 semaphore(%arg12 : memref<!tpu.dma_semaphore, #tpu.memory_space<semaphore_mem>>) src(%dma_wait3A_241 : memref<80xi32, #tpu.memory_space<hbm>>) dst(%dma_wait3A_240 : memref<80xi32, #tpu.memory_space<vmem>>)
      %mul3A_242 = arith.constant 80 : i32
      %mul3A_243 = arith.muli %add3A_227, %mul3A_242 : i32
      %dma_wait3A_244 = tpu.memref_slice %arg6[%mul3A_243] : memref<10000xi32, #tpu.memory_space<vmem>> -> memref<80xi32, #tpu.memory_space<vmem>>
      %dma_wait3A_245 = arith.constant 0 : i32
      %dma_wait3A_246 = arith.constant 0 : i32
      %dma_wait3A_247 = tpu.memref_slice %arg2[%dma_wait3A_245, %dma_wait3A_246] : memref<10000x128xf32, #tpu.memory_space<hbm>> -> memref<10000x128xf32, #tpu.memory_space<hbm>>
      tpu.wait_indirect_dma semaphore(%arg12 : memref<!tpu.dma_semaphore, #tpu.memory_space<semaphore_mem>>) src(%dma_wait3A_247 : memref<10000x128xf32, #tpu.memory_space<hbm>>) dst(%arg8 : memref<80x128xf32, #tpu.memory_space<vmem>>)
      %run_scoped3A_248 = arith.constant 0 : i32
      "tpu.region"() ({
        %run_scoped3A_249 = tpu.sem_alloc : memref<!tpu.dma_semaphore, #tpu.memory_space<semaphore_mem>>
        %dma_start3A_250 = arith.constant 0 : i32
        %dma_start3A_251 = tpu.memref_slice %arg7[%run_scoped3A_248, %dma_start3A_250] : memref<8x80xi32, #tpu.memory_space<vmem>> -> memref<1x80xi32, #tpu.memory_space<vmem>>
        %dma_start3A_252 = tpu.memref_squeeze %dma_start3A_251 : memref<1x80xi32, #tpu.memory_space<vmem>> -> memref<80xi32, #tpu.memory_space<vmem>>
        %dma_start3A_253 = arith.constant 0 : i32
        %dma_start3A_254 = arith.constant 0 : i32
        %dma_start3A_255 = tpu.memref_slice %arg11[%dma_start3A_253, %dma_start3A_254] : memref<10000x128xf32, #tpu.memory_space<vmem_shared>> -> memref<10000x128xf32, #tpu.memory_space<vmem_shared>>
        tpu.enqueue_indirect_dma source(%arg8 : memref<80x128xf32, #tpu.memory_space<vmem>>) target(%dma_start3A_255 : memref<10000x128xf32, #tpu.memory_space<vmem_shared>>) offsets(%dma_start3A_252 : memref<80xi32, #tpu.memory_space<vmem>>) semaphore(%run_scoped3A_249 : memref<!tpu.dma_semaphore, #tpu.memory_space<semaphore_mem>>) {add = true}
        %dma_wait3A_256 = arith.constant 0 : i32
        %dma_wait3A_257 = tpu.memref_slice %arg7[%run_scoped3A_248, %dma_wait3A_256] : memref<8x80xi32, #tpu.memory_space<vmem>> -> memref<1x80xi32, #tpu.memory_space<vmem>>
        %dma_wait3A_258 = tpu.memref_squeeze %dma_wait3A_257 : memref<1x80xi32, #tpu.memory_space<vmem>> -> memref<80xi32, #tpu.memory_space<vmem>>
        %dma_wait3A_259 = arith.constant 0 : i32
        %dma_wait3A_260 = arith.constant 0 : i32
        %dma_wait3A_261 = tpu.memref_slice %arg11[%dma_wait3A_259, %dma_wait3A_260] : memref<10000x128xf32, #tpu.memory_space<vmem_shared>> -> memref<10000x128xf32, #tpu.memory_space<vmem_shared>>
        tpu.wait_indirect_dma semaphore(%run_scoped3A_249 : memref<!tpu.dma_semaphore, #tpu.memory_space<semaphore_mem>>) src(%arg8 : memref<80x128xf32, #tpu.memory_space<vmem>>) dst(%dma_wait3A_261 : memref<10000x128xf32, #tpu.memory_space<vmem_shared>>)
        tpu.yield
      }) : () -> ()
    }
    %scan3A_71 = arith.constant 41 : i32
    %mul3A_72 = arith.constant 10000 : i32
    %mul3A_73 = arith.muli %add3A, %mul3A_72 : i32
    %add3A_74 = arith.constant 9840 : i32
    %add3A_75 = arith.addi %mul3A_73, %add3A_74 : i32
    %dma_wait3A_76 = arith.constant 1 : i32
    %dma_wait3A_77 = arith.constant 0 : i32
    %dma_wait3A_78 = tpu.memref_slice %arg7[%dma_wait3A_76, %dma_wait3A_77] : memref<8x80xi32, #tpu.memory_space<vmem>> -> memref<1x80xi32, #tpu.memory_space<vmem>>
    %dma_wait3A_79 = tpu.memref_squeeze %dma_wait3A_78 : memref<1x80xi32, #tpu.memory_space<vmem>> -> memref<80xi32, #tpu.memory_space<vmem>>
    %dma_wait3A_80 = tpu.memref_slice %arg4[%add3A_75] : memref<320000xi32, #tpu.memory_space<hbm>> -> memref<80xi32, #tpu.memory_space<hbm>>
    %dma_wait3A_81 = arith.constant 0 : i32
    %dma_wait3A_82 = tpu.memref_slice %arg7[%dma_wait3A_76, %dma_wait3A_81] : memref<8x80xi32, #tpu.memory_space<vmem>> -> memref<1x80xi32, #tpu.memory_space<vmem>>
    %dma_wait3A_83 = tpu.memref_squeeze %dma_wait3A_82 : memref<1x80xi32, #tpu.memory_space<vmem>> -> memref<80xi32, #tpu.memory_space<vmem>>
    %dma_wait3A_84 = tpu.memref_slice %arg4[%add3A_75] : memref<320000xi32, #tpu.memory_space<hbm>> -> memref<80xi32, #tpu.memory_space<hbm>>
    tpu.wait_dma2 semaphore(%arg13 : memref<!tpu.dma_semaphore, #tpu.memory_space<semaphore_mem>>) src(%dma_wait3A_84 : memref<80xi32, #tpu.memory_space<hbm>>) dst(%dma_wait3A_83 : memref<80xi32, #tpu.memory_space<vmem>>)
    %dma_wait3A_85 = arith.constant 9840 : i32
    %dma_wait3A_86 = tpu.memref_slice %arg6[%dma_wait3A_85] : memref<10000xi32, #tpu.memory_space<vmem>> -> memref<80xi32, #tpu.memory_space<vmem>>
    %dma_wait3A_87 = arith.constant 0 : i32
    %dma_wait3A_88 = arith.constant 0 : i32
    %dma_wait3A_89 = tpu.memref_slice %arg2[%dma_wait3A_87, %dma_wait3A_88] : memref<10000x128xf32, #tpu.memory_space<hbm>> -> memref<10000x128xf32, #tpu.memory_space<hbm>>
    tpu.wait_indirect_dma semaphore(%arg13 : memref<!tpu.dma_semaphore, #tpu.memory_space<semaphore_mem>>) src(%dma_wait3A_89 : memref<10000x128xf32, #tpu.memory_space<hbm>>) dst(%arg9 : memref<80x128xf32, #tpu.memory_space<vmem>>)
    %run_scoped3A = arith.constant 1 : i32
    "tpu.region"() ({
      %run_scoped3A_113 = tpu.sem_alloc : memref<!tpu.dma_semaphore, #tpu.memory_space<semaphore_mem>>
      %dma_start3A_114 = arith.constant 0 : i32
      %dma_start3A_115 = tpu.memref_slice %arg7[%run_scoped3A, %dma_start3A_114] : memref<8x80xi32, #tpu.memory_space<vmem>> -> memref<1x80xi32, #tpu.memory_space<vmem>>
      %dma_start3A_116 = tpu.memref_squeeze %dma_start3A_115 : memref<1x80xi32, #tpu.memory_space<vmem>> -> memref<80xi32, #tpu.memory_space<vmem>>
      %dma_start3A_117 = arith.constant 0 : i32
      %dma_start3A_118 = arith.constant 0 : i32
      %dma_start3A_119 = tpu.memref_slice %arg11[%dma_start3A_117, %dma_start3A_118] : memref<10000x128xf32, #tpu.memory_space<vmem_shared>> -> memref<10000x128xf32, #tpu.memory_space<vmem_shared>>
      tpu.enqueue_indirect_dma source(%arg9 : memref<80x128xf32, #tpu.memory_space<vmem>>) target(%dma_start3A_119 : memref<10000x128xf32, #tpu.memory_space<vmem_shared>>) offsets(%dma_start3A_116 : memref<80xi32, #tpu.memory_space<vmem>>) semaphore(%run_scoped3A_113 : memref<!tpu.dma_semaphore, #tpu.memory_space<semaphore_mem>>) {add = true}
      %dma_wait3A_120 = arith.constant 0 : i32
      %dma_wait3A_121 = tpu.memref_slice %arg7[%run_scoped3A, %dma_wait3A_120] : memref<8x80xi32, #tpu.memory_space<vmem>> -> memref<1x80xi32, #tpu.memory_space<vmem>>
      %dma_wait3A_122 = tpu.memref_squeeze %dma_wait3A_121 : memref<1x80xi32, #tpu.memory_space<vmem>> -> memref<80xi32, #tpu.memory_space<vmem>>
      %dma_wait3A_123 = arith.constant 0 : i32
      %dma_wait3A_124 = arith.constant 0 : i32
      %dma_wait3A_125 = tpu.memref_slice %arg11[%dma_wait3A_123, %dma_wait3A_124] : memref<10000x128xf32, #tpu.memory_space<vmem_shared>> -> memref<10000x128xf32, #tpu.memory_space<vmem_shared>>
      tpu.wait_indirect_dma semaphore(%run_scoped3A_113 : memref<!tpu.dma_semaphore, #tpu.memory_space<semaphore_mem>>) src(%arg9 : memref<80x128xf32, #tpu.memory_space<vmem>>) dst(%dma_wait3A_125 : memref<10000x128xf32, #tpu.memory_space<vmem_shared>>)
      tpu.yield
    }) : () -> ()
    %mul3A_90 = arith.constant 10000 : i32
    %mul3A_91 = arith.muli %add3A, %mul3A_90 : i32
    %add3A_92 = arith.constant 9920 : i32
    %add3A_93 = arith.addi %mul3A_91, %add3A_92 : i32
    %dma_wait3A_94 = arith.constant 2 : i32
    %dma_wait3A_95 = arith.constant 0 : i32
    %dma_wait3A_96 = tpu.memref_slice %arg7[%dma_wait3A_94, %dma_wait3A_95] : memref<8x80xi32, #tpu.memory_space<vmem>> -> memref<1x80xi32, #tpu.memory_space<vmem>>
    %dma_wait3A_97 = tpu.memref_squeeze %dma_wait3A_96 : memref<1x80xi32, #tpu.memory_space<vmem>> -> memref<80xi32, #tpu.memory_space<vmem>>
    %dma_wait3A_98 = tpu.memref_slice %arg4[%add3A_93] : memref<320000xi32, #tpu.memory_space<hbm>> -> memref<80xi32, #tpu.memory_space<hbm>>
    %dma_wait3A_99 = arith.constant 0 : i32
    %dma_wait3A_100 = tpu.memref_slice %arg7[%dma_wait3A_94, %dma_wait3A_99] : memref<8x80xi32, #tpu.memory_space<vmem>> -> memref<1x80xi32, #tpu.memory_space<vmem>>
    %dma_wait3A_101 = tpu.memref_squeeze %dma_wait3A_100 : memref<1x80xi32, #tpu.memory_space<vmem>> -> memref<80xi32, #tpu.memory_space<vmem>>
    %dma_wait3A_102 = tpu.memref_slice %arg4[%add3A_93] : memref<320000xi32, #tpu.memory_space<hbm>> -> memref<80xi32, #tpu.memory_space<hbm>>
    tpu.wait_dma2 semaphore(%arg14 : memref<!tpu.dma_semaphore, #tpu.memory_space<semaphore_mem>>) src(%dma_wait3A_102 : memref<80xi32, #tpu.memory_space<hbm>>) dst(%dma_wait3A_101 : memref<80xi32, #tpu.memory_space<vmem>>)
    %dma_wait3A_103 = arith.constant 9920 : i32
    %dma_wait3A_104 = tpu.memref_slice %arg6[%dma_wait3A_103] : memref<10000xi32, #tpu.memory_space<vmem>> -> memref<80xi32, #tpu.memory_space<vmem>>
    %dma_wait3A_105 = arith.constant 0 : i32
    %dma_wait3A_106 = arith.constant 0 : i32
    %dma_wait3A_107 = tpu.memref_slice %arg2[%dma_wait3A_105, %dma_wait3A_106] : memref<10000x128xf32, #tpu.memory_space<hbm>> -> memref<10000x128xf32, #tpu.memory_space<hbm>>
    tpu.wait_indirect_dma semaphore(%arg14 : memref<!tpu.dma_semaphore, #tpu.memory_space<semaphore_mem>>) src(%dma_wait3A_107 : memref<10000x128xf32, #tpu.memory_space<hbm>>) dst(%arg10 : memref<80x128xf32, #tpu.memory_space<vmem>>)
    %run_scoped3A_108 = arith.constant 2 : i32
    "tpu.region"() ({
      %run_scoped3A_113 = tpu.sem_alloc : memref<!tpu.dma_semaphore, #tpu.memory_space<semaphore_mem>>
      %dma_start3A_114 = arith.constant 0 : i32
      %dma_start3A_115 = tpu.memref_slice %arg7[%run_scoped3A_108, %dma_start3A_114] : memref<8x80xi32, #tpu.memory_space<vmem>> -> memref<1x80xi32, #tpu.memory_space<vmem>>
      %dma_start3A_116 = tpu.memref_squeeze %dma_start3A_115 : memref<1x80xi32, #tpu.memory_space<vmem>> -> memref<80xi32, #tpu.memory_space<vmem>>
      %dma_start3A_117 = arith.constant 0 : i32
      %dma_start3A_118 = arith.constant 0 : i32
      %dma_start3A_119 = tpu.memref_slice %arg11[%dma_start3A_117, %dma_start3A_118] : memref<10000x128xf32, #tpu.memory_space<vmem_shared>> -> memref<10000x128xf32, #tpu.memory_space<vmem_shared>>
      tpu.enqueue_indirect_dma source(%arg10 : memref<80x128xf32, #tpu.memory_space<vmem>>) target(%dma_start3A_119 : memref<10000x128xf32, #tpu.memory_space<vmem_shared>>) offsets(%dma_start3A_116 : memref<80xi32, #tpu.memory_space<vmem>>) semaphore(%run_scoped3A_113 : memref<!tpu.dma_semaphore, #tpu.memory_space<semaphore_mem>>) {add = true}
      %dma_wait3A_120 = arith.constant 0 : i32
      %dma_wait3A_121 = tpu.memref_slice %arg7[%run_scoped3A_108, %dma_wait3A_120] : memref<8x80xi32, #tpu.memory_space<vmem>> -> memref<1x80xi32, #tpu.memory_space<vmem>>
      %dma_wait3A_122 = tpu.memref_squeeze %dma_wait3A_121 : memref<1x80xi32, #tpu.memory_space<vmem>> -> memref<80xi32, #tpu.memory_space<vmem>>
      %dma_wait3A_123 = arith.constant 0 : i32
      %dma_wait3A_124 = arith.constant 0 : i32
      %dma_wait3A_125 = tpu.memref_slice %arg11[%dma_wait3A_123, %dma_wait3A_124] : memref<10000x128xf32, #tpu.memory_space<vmem_shared>> -> memref<10000x128xf32, #tpu.memory_space<vmem_shared>>
      tpu.wait_indirect_dma semaphore(%run_scoped3A_113 : memref<!tpu.dma_semaphore, #tpu.memory_space<semaphore_mem>>) src(%arg10 : memref<80x128xf32, #tpu.memory_space<vmem>>) dst(%dma_wait3A_125 : memref<10000x128xf32, #tpu.memory_space<vmem_shared>>)
      tpu.yield
    }) : () -> ()
    %barrier3A_109 = arith.constant 0 : index
    tpu.barrier barrier_id(%barrier3A_109)
    %mul3A_110 = arith.constant 10000 : i32
    %mul3A_111 = arith.muli %arg0, %mul3A_110 : i32
    %add3A_112 = arith.addi %mul3A_111, %mul3A_49 : i32
    "tpu.region"() ({
      %run_scoped3A_113 = tpu.sem_alloc : memref<!tpu.dma_semaphore, #tpu.memory_space<semaphore_mem>>
      %dma_start3A_114 = arith.constant 0 : i32
      %dma_start3A_115 = tpu.memref_slice %arg5[%add3A_112, %dma_start3A_114] : memref<20000x128xf32, #tpu.memory_space<hbm>> -> memref<640x128xf32, #tpu.memory_space<hbm>>
      %dma_start3A_116 = arith.constant 0 : i32
      %dma_start3A_117 = tpu.memref_slice %arg11[%mul3A_49, %dma_start3A_116] : memref<10000x128xf32, #tpu.memory_space<vmem_shared>> -> memref<640x128xf32, #tpu.memory_space<vmem_shared>>
      tpu.enqueue_dma source(%dma_start3A_117 : memref<640x128xf32, #tpu.memory_space<vmem_shared>>) target(%dma_start3A_115 : memref<640x128xf32, #tpu.memory_space<hbm>>) target_semaphore(%run_scoped3A_113 : memref<!tpu.dma_semaphore, #tpu.memory_space<semaphore_mem>>)
      %dma_wait3A_118 = arith.constant 0 : i32
      %dma_wait3A_119 = tpu.memref_slice %arg5[%add3A_112, %dma_wait3A_118] : memref<20000x128xf32, #tpu.memory_space<hbm>> -> memref<640x128xf32, #tpu.memory_space<hbm>>
      %dma_wait3A_120 = arith.constant 0 : i32
      %dma_wait3A_121 = tpu.memref_slice %arg11[%mul3A_49, %dma_wait3A_120] : memref<10000x128xf32, #tpu.memory_space<vmem_shared>> -> memref<640x128xf32, #tpu.memory_space<vmem_shared>>
      tpu.wait_dma2 semaphore(%run_scoped3A_113 : memref<!tpu.dma_semaphore, #tpu.memory_space<semaphore_mem>>) src(%dma_wait3A_121 : memref<640x128xf32, #tpu.memory_space<vmem_shared>>) dst(%dma_wait3A_119 : memref<640x128xf32, #tpu.memory_space<hbm>>)
      tpu.yield
    }) : () -> ()
    return
  }
}

#map = affine_map<(d0, d1) -> (0, 0)>
#map1 = affine_map<(d0, d1) -> (0)>
module attributes {stable_mosaic.version = 14 : i64} {
  func.func @_agg_body(%arg0: i32, %arg1: i32, %arg2: memref<10000x128xf32, #tpu.memory_space<hbm>>, %arg3: memref<320000xi32, #tpu.memory_space<hbm>>, %arg4: memref<320000xi32, #tpu.memory_space<hbm>>, %arg5: memref<20000x128xf32, #tpu.memory_space<hbm>>, %arg6: memref<10000xi32, #tpu.memory_space<vmem>>, %arg7: memref<8x80xi32, #tpu.memory_space<vmem>>, %arg8: memref<80x128xf32, #tpu.memory_space<vmem>>, %arg9: memref<80x128xf32, #tpu.memory_space<vmem>>, %arg10: memref<80x128xf32, #tpu.memory_space<vmem>>, %arg11: memref<10000x128xf32, #tpu.memory_space<vmem_shared>>, %arg12: memref<!tpu.dma_semaphore, #tpu.memory_space<semaphore_mem>>, %arg13: memref<!tpu.dma_semaphore, #tpu.memory_space<semaphore_mem>>, %arg14: memref<!tpu.dma_semaphore, #tpu.memory_space<semaphore_mem>>) attributes {dimension_semantics = [#tpu.dimension_semantics<core_parallel>, #tpu.dimension_semantics<subcore_parallel>], iteration_bounds = array<i64: 2, 16>, scalar_prefetch = 0 : i64, scratch_operands = 9 : i64, tpu.core_type = #tpu.core_type<sc_vector_subcore>, window_params = [{transform_indices = #map}, {transform_indices = #map1}, {transform_indices = #map1}, {transform_indices = #map}]} {
    %mul3A = arith.constant 2 : i32
    %mul3A_0 = arith.muli %arg1, %mul3A : i32
    %add3A = arith.addi %mul3A_0, %arg0 : i32
    %mul3A_1 = arith.constant 10000 : i32
    %mul3A_2 = arith.muli %add3A, %mul3A_1 : i32
    %dma_start3A = tpu.memref_slice %arg3[%mul3A_2] : memref<320000xi32, #tpu.memory_space<hbm>> -> memref<10000xi32, #tpu.memory_space<hbm>>
    %dma_start3A_3 = tpu.memref_slice %arg3[%mul3A_2] : memref<320000xi32, #tpu.memory_space<hbm>> -> memref<10000xi32, #tpu.memory_space<hbm>>
    tpu.enqueue_dma source(%dma_start3A_3 : memref<10000xi32, #tpu.memory_space<hbm>>) target(%arg6 : memref<10000xi32, #tpu.memory_space<vmem>>) target_semaphore(%arg12 : memref<!tpu.dma_semaphore, #tpu.memory_space<semaphore_mem>>)
    %scan3A = arith.constant 0 : i32
    %scan3A_4 = arith.constant 0 : i32
    %scan3A_5 = arith.constant 640 : i32
    %scan3A_6 = arith.addi %scan3A_4, %scan3A_5 : i32
    %scan3A_7 = arith.constant 1 : i32
    scf.for %scan3A_113 = %scan3A_4 to %scan3A_6 step %scan3A_7  : i32 {
      %broadcast_in_dim3A = arith.constant 0.000000e+00 : f32
      %broadcast_in_dim3A_114 = vector.broadcast %broadcast_in_dim3A : f32 to vector<16xf32>
      %jit3A = arith.constant 8 : i32
      %div3A = arith.divsi %scan3A_113, %jit3A : i32
      %sign3A = arith.constant 0 : i32
      %sign3A_115 = arith.cmpi sgt, %scan3A_113, %sign3A : i32
      %sign3A_116 = arith.extui %sign3A_115 : i1 to i32
      %sign3A_117 = arith.constant 0 : i32
      %sign3A_118 = arith.cmpi slt, %scan3A_113, %sign3A_117 : i32
      %sign3A_119 = arith.extui %sign3A_118 : i1 to i32
      %sign3A_120 = arith.subi %sign3A_116, %sign3A_119 : i32
      %sign3A_121 = arith.constant 0 : i32
      %sign3A_122 = arith.cmpi sgt, %jit3A, %sign3A_121 : i32
      %sign3A_123 = arith.extui %sign3A_122 : i1 to i32
      %sign3A_124 = arith.constant 0 : i32
      %sign3A_125 = arith.cmpi slt, %jit3A, %sign3A_124 : i32
      %sign3A_126 = arith.extui %sign3A_125 : i1 to i32
      %sign3A_127 = arith.subi %sign3A_123, %sign3A_126 : i32
      %ne3A = arith.cmpi ne, %sign3A_120, %sign3A_127 : i32
      %rem3A = arith.remsi %scan3A_113, %jit3A : i32
      %ne3A_128 = arith.constant 0 : i32
      %ne3A_129 = arith.cmpi ne, %rem3A, %ne3A_128 : i32
      %and3A = arith.andi %ne3A, %ne3A_129 : i1
      %sub3A = arith.constant 1 : i32
      %sub3A_130 = arith.subi %div3A, %sub3A : i32
      %select_n3A = arith.select %and3A, %sub3A_130, %div3A : i32
      %jit3A_131 = arith.constant 8 : i32
      %eq3A = arith.constant 0 : i32
      %eq3A_132 = arith.cmpi eq, %jit3A_131, %eq3A : i32
      %jit3A_133 = arith.constant 1 : i32
      %select_n3A_134 = arith.select %eq3A_132, %jit3A_133, %jit3A_131 : i32
      %rem3A_135 = arith.remsi %scan3A_113, %select_n3A_134 : i32
      %ne3A_136 = arith.constant 0 : i32
      %ne3A_137 = arith.cmpi ne, %rem3A_135, %ne3A_136 : i32
      %lt3A = arith.constant 0 : i32
      %lt3A_138 = arith.cmpi slt, %rem3A_135, %lt3A : i32
      %lt3A_139 = arith.constant 0 : i32
      %lt3A_140 = arith.cmpi slt, %select_n3A_134, %lt3A_139 : i32
      %ne3A_141 = arith.xori %lt3A_138, %lt3A_140 : i1
      %and3A_142 = arith.andi %ne3A_141, %ne3A_137 : i1
      %add3A_143 = arith.addi %rem3A_135, %select_n3A_134 : i32
      %select_n3A_144 = arith.select %and3A_142, %add3A_143, %rem3A_135 : i32
      %mul3A_145 = arith.constant 16 : i32
      %mul3A_146 = arith.muli %select_n3A_144, %mul3A_145 : i32
      %swap3A = arith.index_cast %select_n3A : i32 to index
      %swap3A_147 = arith.index_cast %mul3A_146 : i32 to index
      %swap3A_148 = tpu.vector_load %arg8[%swap3A, %swap3A_147] {strides = array<i32>} : memref<80x128xf32, #tpu.memory_space<vmem>>, vector<1x16xf32>,
      %swap3A_149 = vector.shape_cast %swap3A_148 : vector<1x16xf32> to vector<16xf32>
      %swap3A_150 = vector.shape_cast %broadcast_in_dim3A_114 : vector<16xf32> to vector<1x16xf32>
      tpu.vector_store %arg8[%swap3A, %swap3A_147], %swap3A_150 {strides = array<i32>} : memref<80x128xf32, #tpu.memory_space<vmem>>, vector<1x16xf32>,
    }
    %scan3A_8 = arith.constant 640 : i32
    %mul3A_9 = arith.constant 10000 : i32
    %mul3A_10 = arith.muli %add3A, %mul3A_9 : i32
    %dma_wait3A = tpu.memref_slice %arg3[%mul3A_10] : memref<320000xi32, #tpu.memory_space<hbm>> -> memref<10000xi32, #tpu.memory_space<hbm>>
    %dma_wait3A_11 = tpu.memref_slice %arg3[%mul3A_10] : memref<320000xi32, #tpu.memory_space<hbm>> -> memref<10000xi32, #tpu.memory_space<hbm>>
    tpu.wait_dma2 semaphore(%arg12 : memref<!tpu.dma_semaphore, #tpu.memory_space<semaphore_mem>>) src(%dma_wait3A_11 : memref<10000xi32, #tpu.memory_space<hbm>>) dst(%arg6 : memref<10000xi32, #tpu.memory_space<vmem>>)
    %mul3A_12 = arith.constant 10000 : i32
    %mul3A_13 = arith.muli %add3A, %mul3A_12 : i32
    %add3A_14 = arith.constant 0 : i32
    %add3A_15 = arith.addi %mul3A_13, %add3A_14 : i32
    %dma_start3A_16 = arith.constant 1 : i32
    %dma_start3A_17 = arith.constant 0 : i32
    %dma_start3A_18 = tpu.memref_slice %arg7[%dma_start3A_16, %dma_start3A_17] : memref<8x80xi32, #tpu.memory_space<vmem>> -> memref<1x80xi32, #tpu.memory_space<vmem>>
    %dma_start3A_19 = tpu.memref_squeeze %dma_start3A_18 : memref<1x80xi32, #tpu.memory_space<vmem>> -> memref<80xi32, #tpu.memory_space<vmem>>
    %dma_start3A_20 = tpu.memref_slice %arg4[%add3A_15] : memref<320000xi32, #tpu.memory_space<hbm>> -> memref<80xi32, #tpu.memory_space<hbm>>
    %dma_start3A_21 = arith.constant 0 : i32
    %dma_start3A_22 = tpu.memref_slice %arg7[%dma_start3A_16, %dma_start3A_21] : memref<8x80xi32, #tpu.memory_space<vmem>> -> memref<1x80xi32, #tpu.memory_space<vmem>>
    %dma_start3A_23 = tpu.memref_squeeze %dma_start3A_22 : memref<1x80xi32, #tpu.memory_space<vmem>> -> memref<80xi32, #tpu.memory_space<vmem>>
    %dma_start3A_24 = tpu.memref_slice %arg4[%add3A_15] : memref<320000xi32, #tpu.memory_space<hbm>> -> memref<80xi32, #tpu.memory_space<hbm>>
    tpu.enqueue_dma source(%dma_start3A_24 : memref<80xi32, #tpu.memory_space<hbm>>) target(%dma_start3A_23 : memref<80xi32, #tpu.memory_space<vmem>>) target_semaphore(%arg13 : memref<!tpu.dma_semaphore, #tpu.memory_space<semaphore_mem>>)
    %dma_start3A_25 = arith.constant 0 : i32
    %dma_start3A_26 = tpu.memref_slice %arg6[%dma_start3A_25] : memref<10000xi32, #tpu.memory_space<vmem>> -> memref<80xi32, #tpu.memory_space<vmem>>
    %dma_start3A_27 = arith.constant 0 : i32
    %dma_start3A_28 = arith.constant 0 : i32
    %dma_start3A_29 = tpu.memref_slice %arg2[%dma_start3A_27, %dma_start3A_28] : memref<10000x128xf32, #tpu.memory_space<hbm>> -> memref<10000x128xf32, #tpu.memory_space<hbm>>
    tpu.enqueue_indirect_dma source(%dma_start3A_29 : memref<10000x128xf32, #tpu.memory_space<hbm>>) target(%arg9 : memref<80x128xf32, #tpu.memory_space<vmem>>) offsets(%dma_start3A_26 : memref<80xi32, #tpu.memory_space<vmem>>) semaphore(%arg13 : memref<!tpu.dma_semaphore, #tpu.memory_space<semaphore_mem>>)
    %mul3A_30 = arith.constant 10000 : i32
    %mul3A_31 = arith.muli %add3A, %mul3A_30 : i32
    %add3A_32 = arith.constant 80 : i32
    %add3A_33 = arith.addi %mul3A_31, %add3A_32 : i32
    %dma_start3A_34 = arith.constant 2 : i32
    %dma_start3A_35 = arith.constant 0 : i32
    %dma_start3A_36 = tpu.memref_slice %arg7[%dma_start3A_34, %dma_start3A_35] : memref<8x80xi32, #tpu.memory_space<vmem>> -> memref<1x80xi32, #tpu.memory_space<vmem>>
    %dma_start3A_37 = tpu.memref_squeeze %dma_start3A_36 : memref<1x80xi32, #tpu.memory_space<vmem>> -> memref<80xi32, #tpu.memory_space<vmem>>
    %dma_start3A_38 = tpu.memref_slice %arg4[%add3A_33] : memref<320000xi32, #tpu.memory_space<hbm>> -> memref<80xi32, #tpu.memory_space<hbm>>
    %dma_start3A_39 = arith.constant 0 : i32
    %dma_start3A_40 = tpu.memref_slice %arg7[%dma_start3A_34, %dma_start3A_39] : memref<8x80xi32, #tpu.memory_space<vmem>> -> memref<1x80xi32, #tpu.memory_space<vmem>>
    %dma_start3A_41 = tpu.memref_squeeze %dma_start3A_40 : memref<1x80xi32, #tpu.memory_space<vmem>> -> memref<80xi32, #tpu.memory_space<vmem>>
    %dma_start3A_42 = tpu.memref_slice %arg4[%add3A_33] : memref<320000xi32, #tpu.memory_space<hbm>> -> memref<80xi32, #tpu.memory_space<hbm>>
    tpu.enqueue_dma source(%dma_start3A_42 : memref<80xi32, #tpu.memory_space<hbm>>) target(%dma_start3A_41 : memref<80xi32, #tpu.memory_space<vmem>>) target_semaphore(%arg14 : memref<!tpu.dma_semaphore, #tpu.memory_space<semaphore_mem>>)
    %dma_start3A_43 = arith.constant 80 : i32
    %dma_start3A_44 = tpu.memref_slice %arg6[%dma_start3A_43] : memref<10000xi32, #tpu.memory_space<vmem>> -> memref<80xi32, #tpu.memory_space<vmem>>
    %dma_start3A_45 = arith.constant 0 : i32
    %dma_start3A_46 = arith.constant 0 : i32
    %dma_start3A_47 = tpu.memref_slice %arg2[%dma_start3A_45, %dma_start3A_46] : memref<10000x128xf32, #tpu.memory_space<hbm>> -> memref<10000x128xf32, #tpu.memory_space<hbm>>
    tpu.enqueue_indirect_dma source(%dma_start3A_47 : memref<10000x128xf32, #tpu.memory_space<hbm>>) target(%arg10 : memref<80x128xf32, #tpu.memory_space<vmem>>) offsets(%dma_start3A_44 : memref<80xi32, #tpu.memory_space<vmem>>) semaphore(%arg14 : memref<!tpu.dma_semaphore, #tpu.memory_space<semaphore_mem>>)
    %mul3A_48 = arith.constant 624 : i32
    %mul3A_49 = arith.muli %arg1, %mul3A_48 : i32
    %add3A_50 = arith.constant 0 : i32
    %add3A_51 = arith.addi %mul3A_49, %add3A_50 : i32
    "tpu.region"() ({
      %run_scoped3A_113 = tpu.sem_alloc : memref<!tpu.dma_semaphore, #tpu.memory_space<semaphore_mem>>
      %dma_start3A_114 = arith.constant 0 : i32
      %dma_start3A_115 = tpu.memref_slice %arg11[%add3A_51, %dma_start3A_114] : memref<10000x128xf32, #tpu.memory_space<vmem_shared>> -> memref<80x128xf32, #tpu.memory_space<vmem_shared>>
      %dma_start3A_116 = arith.constant 0 : i32
      %dma_start3A_117 = tpu.memref_slice %arg11[%add3A_51, %dma_start3A_116] : memref<10000x128xf32, #tpu.memory_space<vmem_shared>> -> memref<80x128xf32, #tpu.memory_space<vmem_shared>>
      tpu.enqueue_dma source(%arg8 : memref<80x128xf32, #tpu.memory_space<vmem>>) target(%dma_start3A_117 : memref<80x128xf32, #tpu.memory_space<vmem_shared>>) target_semaphore(%run_scoped3A_113 : memref<!tpu.dma_semaphore, #tpu.memory_space<semaphore_mem>>)
      %dma_wait3A_118 = arith.constant 0 : i32
      %dma_wait3A_119 = tpu.memref_slice %arg11[%add3A_51, %dma_wait3A_118] : memref<10000x128xf32, #tpu.memory_space<vmem_shared>> -> memref<80x128xf32, #tpu.memory_space<vmem_shared>>
      %dma_wait3A_120 = arith.constant 0 : i32
      %dma_wait3A_121 = tpu.memref_slice %arg11[%add3A_51, %dma_wait3A_120] : memref<10000x128xf32, #tpu.memory_space<vmem_shared>> -> memref<80x128xf32, #tpu.memory_space<vmem_shared>>
      tpu.wait_dma2 semaphore(%run_scoped3A_113 : memref<!tpu.dma_semaphore, #tpu.memory_space<semaphore_mem>>) src(%arg8 : memref<80x128xf32, #tpu.memory_space<vmem>>) dst(%dma_wait3A_121 : memref<80x128xf32, #tpu.memory_space<vmem_shared>>)
      tpu.yield
    }) : () -> ()
    %add3A_52 = arith.constant 80 : i32
    %add3A_53 = arith.addi %mul3A_49, %add3A_52 : i32
    "tpu.region"() ({
      %run_scoped3A_113 = tpu.sem_alloc : memref<!tpu.dma_semaphore, #tpu.memory_space<semaphore_mem>>
      %dma_start3A_114 = arith.constant 0 : i32
      %dma_start3A_115 = tpu.memref_slice %arg11[%add3A_53, %dma_start3A_114] : memref<10000x128xf32, #tpu.memory_space<vmem_shared>> -> memref<80x128xf32, #tpu.memory_space<vmem_shared>>
      %dma_start3A_116 = arith.constant 0 : i32
      %dma_start3A_117 = tpu.memref_slice %arg11[%add3A_53, %dma_start3A_116] : memref<10000x128xf32, #tpu.memory_space<vmem_shared>> -> memref<80x128xf32, #tpu.memory_space<vmem_shared>>
      tpu.enqueue_dma source(%arg8 : memref<80x128xf32, #tpu.memory_space<vmem>>) target(%dma_start3A_117 : memref<80x128xf32, #tpu.memory_space<vmem_shared>>) target_semaphore(%run_scoped3A_113 : memref<!tpu.dma_semaphore, #tpu.memory_space<semaphore_mem>>)
      %dma_wait3A_118 = arith.constant 0 : i32
      %dma_wait3A_119 = tpu.memref_slice %arg11[%add3A_53, %dma_wait3A_118] : memref<10000x128xf32, #tpu.memory_space<vmem_shared>> -> memref<80x128xf32, #tpu.memory_space<vmem_shared>>
      %dma_wait3A_120 = arith.constant 0 : i32
      %dma_wait3A_121 = tpu.memref_slice %arg11[%add3A_53, %dma_wait3A_120] : memref<10000x128xf32, #tpu.memory_space<vmem_shared>> -> memref<80x128xf32, #tpu.memory_space<vmem_shared>>
      tpu.wait_dma2 semaphore(%run_scoped3A_113 : memref<!tpu.dma_semaphore, #tpu.memory_space<semaphore_mem>>) src(%arg8 : memref<80x128xf32, #tpu.memory_space<vmem>>) dst(%dma_wait3A_121 : memref<80x128xf32, #tpu.memory_space<vmem_shared>>)
      tpu.yield
    }) : () -> ()
    %add3A_54 = arith.constant 160 : i32
    %add3A_55 = arith.addi %mul3A_49, %add3A_54 : i32
    "tpu.region"() ({
      %run_scoped3A_113 = tpu.sem_alloc : memref<!tpu.dma_semaphore, #tpu.memory_space<semaphore_mem>>
      %dma_start3A_114 = arith.constant 0 : i32
      %dma_start3A_115 = tpu.memref_slice %arg11[%add3A_55, %dma_start3A_114] : memref<10000x128xf32, #tpu.memory_space<vmem_shared>> -> memref<80x128xf32, #tpu.memory_space<vmem_shared>>
      %dma_start3A_116 = arith.constant 0 : i32
      %dma_start3A_117 = tpu.memref_slice %arg11[%add3A_55, %dma_start3A_116] : memref<10000x128xf32, #tpu.memory_space<vmem_shared>> -> memref<80x128xf32, #tpu.memory_space<vmem_shared>>
      tpu.enqueue_dma source(%arg8 : memref<80x128xf32, #tpu.memory_space<vmem>>) target(%dma_start3A_117 : memref<80x128xf32, #tpu.memory_space<vmem_shared>>) target_semaphore(%run_scoped3A_113 : memref<!tpu.dma_semaphore, #tpu.memory_space<semaphore_mem>>)
      %dma_wait3A_118 = arith.constant 0 : i32
      %dma_wait3A_119 = tpu.memref_slice %arg11[%add3A_55, %dma_wait3A_118] : memref<10000x128xf32, #tpu.memory_space<vmem_shared>> -> memref<80x128xf32, #tpu.memory_space<vmem_shared>>
      %dma_wait3A_120 = arith.constant 0 : i32
      %dma_wait3A_121 = tpu.memref_slice %arg11[%add3A_55, %dma_wait3A_120] : memref<10000x128xf32, #tpu.memory_space<vmem_shared>> -> memref<80x128xf32, #tpu.memory_space<vmem_shared>>
      tpu.wait_dma2 semaphore(%run_scoped3A_113 : memref<!tpu.dma_semaphore, #tpu.memory_space<semaphore_mem>>) src(%arg8 : memref<80x128xf32, #tpu.memory_space<vmem>>) dst(%dma_wait3A_121 : memref<80x128xf32, #tpu.memory_space<vmem_shared>>)
      tpu.yield
    }) : () -> ()
    %add3A_56 = arith.constant 240 : i32
    %add3A_57 = arith.addi %mul3A_49, %add3A_56 : i32
    "tpu.region"() ({
      %run_scoped3A_113 = tpu.sem_alloc : memref<!tpu.dma_semaphore, #tpu.memory_space<semaphore_mem>>
      %dma_start3A_114 = arith.constant 0 : i32
      %dma_start3A_115 = tpu.memref_slice %arg11[%add3A_57, %dma_start3A_114] : memref<10000x128xf32, #tpu.memory_space<vmem_shared>> -> memref<80x128xf32, #tpu.memory_space<vmem_shared>>
      %dma_start3A_116 = arith.constant 0 : i32
      %dma_start3A_117 = tpu.memref_slice %arg11[%add3A_57, %dma_start3A_116] : memref<10000x128xf32, #tpu.memory_space<vmem_shared>> -> memref<80x128xf32, #tpu.memory_space<vmem_shared>>
      tpu.enqueue_dma source(%arg8 : memref<80x128xf32, #tpu.memory_space<vmem>>) target(%dma_start3A_117 : memref<80x128xf32, #tpu.memory_space<vmem_shared>>) target_semaphore(%run_scoped3A_113 : memref<!tpu.dma_semaphore, #tpu.memory_space<semaphore_mem>>)
      %dma_wait3A_118 = arith.constant 0 : i32
      %dma_wait3A_119 = tpu.memref_slice %arg11[%add3A_57, %dma_wait3A_118] : memref<10000x128xf32, #tpu.memory_space<vmem_shared>> -> memref<80x128xf32, #tpu.memory_space<vmem_shared>>
      %dma_wait3A_120 = arith.constant 0 : i32
      %dma_wait3A_121 = tpu.memref_slice %arg11[%add3A_57, %dma_wait3A_120] : memref<10000x128xf32, #tpu.memory_space<vmem_shared>> -> memref<80x128xf32, #tpu.memory_space<vmem_shared>>
      tpu.wait_dma2 semaphore(%run_scoped3A_113 : memref<!tpu.dma_semaphore, #tpu.memory_space<semaphore_mem>>) src(%arg8 : memref<80x128xf32, #tpu.memory_space<vmem>>) dst(%dma_wait3A_121 : memref<80x128xf32, #tpu.memory_space<vmem_shared>>)
      tpu.yield
    }) : () -> ()
    %add3A_58 = arith.constant 320 : i32
    %add3A_59 = arith.addi %mul3A_49, %add3A_58 : i32
    "tpu.region"() ({
      %run_scoped3A_113 = tpu.sem_alloc : memref<!tpu.dma_semaphore, #tpu.memory_space<semaphore_mem>>
      %dma_start3A_114 = arith.constant 0 : i32
      %dma_start3A_115 = tpu.memref_slice %arg11[%add3A_59, %dma_start3A_114] : memref<10000x128xf32, #tpu.memory_space<vmem_shared>> -> memref<80x128xf32, #tpu.memory_space<vmem_shared>>
      %dma_start3A_116 = arith.constant 0 : i32
      %dma_start3A_117 = tpu.memref_slice %arg11[%add3A_59, %dma_start3A_116] : memref<10000x128xf32, #tpu.memory_space<vmem_shared>> -> memref<80x128xf32, #tpu.memory_space<vmem_shared>>
      tpu.enqueue_dma source(%arg8 : memref<80x128xf32, #tpu.memory_space<vmem>>) target(%dma_start3A_117 : memref<80x128xf32, #tpu.memory_space<vmem_shared>>) target_semaphore(%run_scoped3A_113 : memref<!tpu.dma_semaphore, #tpu.memory_space<semaphore_mem>>)
      %dma_wait3A_118 = arith.constant 0 : i32
      %dma_wait3A_119 = tpu.memref_slice %arg11[%add3A_59, %dma_wait3A_118] : memref<10000x128xf32, #tpu.memory_space<vmem_shared>> -> memref<80x128xf32, #tpu.memory_space<vmem_shared>>
      %dma_wait3A_120 = arith.constant 0 : i32
      %dma_wait3A_121 = tpu.memref_slice %arg11[%add3A_59, %dma_wait3A_120] : memref<10000x128xf32, #tpu.memory_space<vmem_shared>> -> memref<80x128xf32, #tpu.memory_space<vmem_shared>>
      tpu.wait_dma2 semaphore(%run_scoped3A_113 : memref<!tpu.dma_semaphore, #tpu.memory_space<semaphore_mem>>) src(%arg8 : memref<80x128xf32, #tpu.memory_space<vmem>>) dst(%dma_wait3A_121 : memref<80x128xf32, #tpu.memory_space<vmem_shared>>)
      tpu.yield
    }) : () -> ()
    %add3A_60 = arith.constant 400 : i32
    %add3A_61 = arith.addi %mul3A_49, %add3A_60 : i32
    "tpu.region"() ({
      %run_scoped3A_113 = tpu.sem_alloc : memref<!tpu.dma_semaphore, #tpu.memory_space<semaphore_mem>>
      %dma_start3A_114 = arith.constant 0 : i32
      %dma_start3A_115 = tpu.memref_slice %arg11[%add3A_61, %dma_start3A_114] : memref<10000x128xf32, #tpu.memory_space<vmem_shared>> -> memref<80x128xf32, #tpu.memory_space<vmem_shared>>
      %dma_start3A_116 = arith.constant 0 : i32
      %dma_start3A_117 = tpu.memref_slice %arg11[%add3A_61, %dma_start3A_116] : memref<10000x128xf32, #tpu.memory_space<vmem_shared>> -> memref<80x128xf32, #tpu.memory_space<vmem_shared>>
      tpu.enqueue_dma source(%arg8 : memref<80x128xf32, #tpu.memory_space<vmem>>) target(%dma_start3A_117 : memref<80x128xf32, #tpu.memory_space<vmem_shared>>) target_semaphore(%run_scoped3A_113 : memref<!tpu.dma_semaphore, #tpu.memory_space<semaphore_mem>>)
      %dma_wait3A_118 = arith.constant 0 : i32
      %dma_wait3A_119 = tpu.memref_slice %arg11[%add3A_61, %dma_wait3A_118] : memref<10000x128xf32, #tpu.memory_space<vmem_shared>> -> memref<80x128xf32, #tpu.memory_space<vmem_shared>>
      %dma_wait3A_120 = arith.constant 0 : i32
      %dma_wait3A_121 = tpu.memref_slice %arg11[%add3A_61, %dma_wait3A_120] : memref<10000x128xf32, #tpu.memory_space<vmem_shared>> -> memref<80x128xf32, #tpu.memory_space<vmem_shared>>
      tpu.wait_dma2 semaphore(%run_scoped3A_113 : memref<!tpu.dma_semaphore, #tpu.memory_space<semaphore_mem>>) src(%arg8 : memref<80x128xf32, #tpu.memory_space<vmem>>) dst(%dma_wait3A_121 : memref<80x128xf32, #tpu.memory_space<vmem_shared>>)
      tpu.yield
    }) : () -> ()
    %add3A_62 = arith.constant 480 : i32
    %add3A_63 = arith.addi %mul3A_49, %add3A_62 : i32
    "tpu.region"() ({
      %run_scoped3A_113 = tpu.sem_alloc : memref<!tpu.dma_semaphore, #tpu.memory_space<semaphore_mem>>
      %dma_start3A_114 = arith.constant 0 : i32
      %dma_start3A_115 = tpu.memref_slice %arg11[%add3A_63, %dma_start3A_114] : memref<10000x128xf32, #tpu.memory_space<vmem_shared>> -> memref<80x128xf32, #tpu.memory_space<vmem_shared>>
      %dma_start3A_116 = arith.constant 0 : i32
      %dma_start3A_117 = tpu.memref_slice %arg11[%add3A_63, %dma_start3A_116] : memref<10000x128xf32, #tpu.memory_space<vmem_shared>> -> memref<80x128xf32, #tpu.memory_space<vmem_shared>>
      tpu.enqueue_dma source(%arg8 : memref<80x128xf32, #tpu.memory_space<vmem>>) target(%dma_start3A_117 : memref<80x128xf32, #tpu.memory_space<vmem_shared>>) target_semaphore(%run_scoped3A_113 : memref<!tpu.dma_semaphore, #tpu.memory_space<semaphore_mem>>)
      %dma_wait3A_118 = arith.constant 0 : i32
      %dma_wait3A_119 = tpu.memref_slice %arg11[%add3A_63, %dma_wait3A_118] : memref<10000x128xf32, #tpu.memory_space<vmem_shared>> -> memref<80x128xf32, #tpu.memory_space<vmem_shared>>
      %dma_wait3A_120 = arith.constant 0 : i32
      %dma_wait3A_121 = tpu.memref_slice %arg11[%add3A_63, %dma_wait3A_120] : memref<10000x128xf32, #tpu.memory_space<vmem_shared>> -> memref<80x128xf32, #tpu.memory_space<vmem_shared>>
      tpu.wait_dma2 semaphore(%run_scoped3A_113 : memref<!tpu.dma_semaphore, #tpu.memory_space<semaphore_mem>>) src(%arg8 : memref<80x128xf32, #tpu.memory_space<vmem>>) dst(%dma_wait3A_121 : memref<80x128xf32, #tpu.memory_space<vmem_shared>>)
      tpu.yield
    }) : () -> ()
    %add3A_64 = arith.constant 560 : i32
    %add3A_65 = arith.addi %mul3A_49, %add3A_64 : i32
    "tpu.region"() ({
      %run_scoped3A_113 = tpu.sem_alloc : memref<!tpu.dma_semaphore, #tpu.memory_space<semaphore_mem>>
      %dma_start3A_114 = arith.constant 0 : i32
      %dma_start3A_115 = tpu.memref_slice %arg11[%add3A_65, %dma_start3A_114] : memref<10000x128xf32, #tpu.memory_space<vmem_shared>> -> memref<80x128xf32, #tpu.memory_space<vmem_shared>>
      %dma_start3A_116 = arith.constant 0 : i32
      %dma_start3A_117 = tpu.memref_slice %arg11[%add3A_65, %dma_start3A_116] : memref<10000x128xf32, #tpu.memory_space<vmem_shared>> -> memref<80x128xf32, #tpu.memory_space<vmem_shared>>
      tpu.enqueue_dma source(%arg8 : memref<80x128xf32, #tpu.memory_space<vmem>>) target(%dma_start3A_117 : memref<80x128xf32, #tpu.memory_space<vmem_shared>>) target_semaphore(%run_scoped3A_113 : memref<!tpu.dma_semaphore, #tpu.memory_space<semaphore_mem>>)
      %dma_wait3A_118 = arith.constant 0 : i32
      %dma_wait3A_119 = tpu.memref_slice %arg11[%add3A_65, %dma_wait3A_118] : memref<10000x128xf32, #tpu.memory_space<vmem_shared>> -> memref<80x128xf32, #tpu.memory_space<vmem_shared>>
      %dma_wait3A_120 = arith.constant 0 : i32
      %dma_wait3A_121 = tpu.memref_slice %arg11[%add3A_65, %dma_wait3A_120] : memref<10000x128xf32, #tpu.memory_space<vmem_shared>> -> memref<80x128xf32, #tpu.memory_space<vmem_shared>>
      tpu.wait_dma2 semaphore(%run_scoped3A_113 : memref<!tpu.dma_semaphore, #tpu.memory_space<semaphore_mem>>) src(%arg8 : memref<80x128xf32, #tpu.memory_space<vmem>>) dst(%dma_wait3A_121 : memref<80x128xf32, #tpu.memory_space<vmem_shared>>)
      tpu.yield
    }) : () -> ()
    %barrier3A = arith.constant 0 : index
    tpu.barrier barrier_id(%barrier3A)
    %scan3A_66 = arith.constant 0 : i32
    %scan3A_67 = arith.constant 0 : i32
    %scan3A_68 = arith.constant 41 : i32
    %scan3A_69 = arith.addi %scan3A_67, %scan3A_68 : i32
    %scan3A_70 = arith.constant 1 : i32
    scf.for %scan3A_113 = %scan3A_67 to %scan3A_69 step %scan3A_70  : i32 {
      %mul3A_114 = arith.constant 3 : i32
      %mul3A_115 = arith.muli %mul3A_114, %scan3A_113 : i32
      %add3A_116 = arith.constant 2 : i32
      %add3A_117 = arith.addi %mul3A_115, %add3A_116 : i32
      %mul3A_118 = arith.constant 10000 : i32
      %mul3A_119 = arith.muli %add3A, %mul3A_118 : i32
      %mul3A_120 = arith.constant 80 : i32
      %mul3A_121 = arith.muli %add3A_117, %mul3A_120 : i32
      %add3A_122 = arith.addi %mul3A_119, %mul3A_121 : i32
      %dma_start3A_123 = arith.constant 0 : i32
      %dma_start3A_124 = arith.constant 0 : i32
      %dma_start3A_125 = tpu.memref_slice %arg7[%dma_start3A_123, %dma_start3A_124] : memref<8x80xi32, #tpu.memory_space<vmem>> -> memref<1x80xi32, #tpu.memory_space<vmem>>
      %dma_start3A_126 = tpu.memref_squeeze %dma_start3A_125 : memref<1x80xi32, #tpu.memory_space<vmem>> -> memref<80xi32, #tpu.memory_space<vmem>>
      %dma_start3A_127 = tpu.memref_slice %arg4[%add3A_122] : memref<320000xi32, #tpu.memory_space<hbm>> -> memref<80xi32, #tpu.memory_space<hbm>>
      %dma_start3A_128 = arith.constant 0 : i32
      %dma_start3A_129 = tpu.memref_slice %arg7[%dma_start3A_123, %dma_start3A_128] : memref<8x80xi32, #tpu.memory_space<vmem>> -> memref<1x80xi32, #tpu.memory_space<vmem>>
      %dma_start3A_130 = tpu.memref_squeeze %dma_start3A_129 : memref<1x80xi32, #tpu.memory_space<vmem>> -> memref<80xi32, #tpu.memory_space<vmem>>
      %dma_start3A_131 = tpu.memref_slice %arg4[%add3A_122] : memref<320000xi32, #tpu.memory_space<hbm>> -> memref<80xi32, #tpu.memory_space<hbm>>
      tpu.enqueue_dma source(%dma_start3A_131 : memref<80xi32, #tpu.memory_space<hbm>>) target(%dma_start3A_130 : memref<80xi32, #tpu.memory_space<vmem>>) target_semaphore(%arg12 : memref<!tpu.dma_semaphore, #tpu.memory_space<semaphore_mem>>)
      %mul3A_132 = arith.constant 80 : i32
      %mul3A_133 = arith.muli %add3A_117, %mul3A_132 : i32
      %dma_start3A_134 = tpu.memref_slice %arg6[%mul3A_133] : memref<10000xi32, #tpu.memory_space<vmem>> -> memref<80xi32, #tpu.memory_space<vmem>>
      %dma_start3A_135 = arith.constant 0 : i32
      %dma_start3A_136 = arith.constant 0 : i32
      %dma_start3A_137 = tpu.memref_slice %arg2[%dma_start3A_135, %dma_start3A_136] : memref<10000x128xf32, #tpu.memory_space<hbm>> -> memref<10000x128xf32, #tpu.memory_space<hbm>>
      tpu.enqueue_indirect_dma source(%dma_start3A_137 : memref<10000x128xf32, #tpu.memory_space<hbm>>) target(%arg8 : memref<80x128xf32, #tpu.memory_space<vmem>>) offsets(%dma_start3A_134 : memref<80xi32, #tpu.memory_space<vmem>>) semaphore(%arg12 : memref<!tpu.dma_semaphore, #tpu.memory_space<semaphore_mem>>)
      %mul3A_138 = arith.constant 10000 : i32
      %mul3A_139 = arith.muli %add3A, %mul3A_138 : i32
      %mul3A_140 = arith.constant 80 : i32
      %mul3A_141 = arith.muli %mul3A_115, %mul3A_140 : i32
      %add3A_142 = arith.addi %mul3A_139, %mul3A_141 : i32
      %dma_wait3A_143 = arith.constant 1 : i32
      %dma_wait3A_144 = arith.constant 0 : i32
      %dma_wait3A_145 = tpu.memref_slice %arg7[%dma_wait3A_143, %dma_wait3A_144] : memref<8x80xi32, #tpu.memory_space<vmem>> -> memref<1x80xi32, #tpu.memory_space<vmem>>
      %dma_wait3A_146 = tpu.memref_squeeze %dma_wait3A_145 : memref<1x80xi32, #tpu.memory_space<vmem>> -> memref<80xi32, #tpu.memory_space<vmem>>
      %dma_wait3A_147 = tpu.memref_slice %arg4[%add3A_142] : memref<320000xi32, #tpu.memory_space<hbm>> -> memref<80xi32, #tpu.memory_space<hbm>>
      %dma_wait3A_148 = arith.constant 0 : i32
      %dma_wait3A_149 = tpu.memref_slice %arg7[%dma_wait3A_143, %dma_wait3A_148] : memref<8x80xi32, #tpu.memory_space<vmem>> -> memref<1x80xi32, #tpu.memory_space<vmem>>
      %dma_wait3A_150 = tpu.memref_squeeze %dma_wait3A_149 : memref<1x80xi32, #tpu.memory_space<vmem>> -> memref<80xi32, #tpu.memory_space<vmem>>
      %dma_wait3A_151 = tpu.memref_slice %arg4[%add3A_142] : memref<320000xi32, #tpu.memory_space<hbm>> -> memref<80xi32, #tpu.memory_space<hbm>>
      tpu.wait_dma2 semaphore(%arg13 : memref<!tpu.dma_semaphore, #tpu.memory_space<semaphore_mem>>) src(%dma_wait3A_151 : memref<80xi32, #tpu.memory_space<hbm>>) dst(%dma_wait3A_150 : memref<80xi32, #tpu.memory_space<vmem>>)
      %mul3A_152 = arith.constant 80 : i32
      %mul3A_153 = arith.muli %mul3A_115, %mul3A_152 : i32
      %dma_wait3A_154 = tpu.memref_slice %arg6[%mul3A_153] : memref<10000xi32, #tpu.memory_space<vmem>> -> memref<80xi32, #tpu.memory_space<vmem>>
      %dma_wait3A_155 = arith.constant 0 : i32
      %dma_wait3A_156 = arith.constant 0 : i32
      %dma_wait3A_157 = tpu.memref_slice %arg2[%dma_wait3A_155, %dma_wait3A_156] : memref<10000x128xf32, #tpu.memory_space<hbm>> -> memref<10000x128xf32, #tpu.memory_space<hbm>>
      tpu.wait_indirect_dma semaphore(%arg13 : memref<!tpu.dma_semaphore, #tpu.memory_space<semaphore_mem>>) src(%dma_wait3A_157 : memref<10000x128xf32, #tpu.memory_space<hbm>>) dst(%arg9 : memref<80x128xf32, #tpu.memory_space<vmem>>)
      %run_scoped3A_158 = arith.constant 1 : i32
      "tpu.region"() ({
        %run_scoped3A_249 = tpu.sem_alloc : memref<!tpu.dma_semaphore, #tpu.memory_space<semaphore_mem>>
        %dma_start3A_250 = arith.constant 0 : i32
        %dma_start3A_251 = tpu.memref_slice %arg7[%run_scoped3A_158, %dma_start3A_250] : memref<8x80xi32, #tpu.memory_space<vmem>> -> memref<1x80xi32, #tpu.memory_space<vmem>>
        %dma_start3A_252 = tpu.memref_squeeze %dma_start3A_251 : memref<1x80xi32, #tpu.memory_space<vmem>> -> memref<80xi32, #tpu.memory_space<vmem>>
        %dma_start3A_253 = arith.constant 0 : i32
        %dma_start3A_254 = arith.constant 0 : i32
        %dma_start3A_255 = tpu.memref_slice %arg11[%dma_start3A_253, %dma_start3A_254] : memref<10000x128xf32, #tpu.memory_space<vmem_shared>> -> memref<10000x128xf32, #tpu.memory_space<vmem_shared>>
        tpu.enqueue_indirect_dma source(%arg9 : memref<80x128xf32, #tpu.memory_space<vmem>>) target(%dma_start3A_255 : memref<10000x128xf32, #tpu.memory_space<vmem_shared>>) offsets(%dma_start3A_252 : memref<80xi32, #tpu.memory_space<vmem>>) semaphore(%run_scoped3A_249 : memref<!tpu.dma_semaphore, #tpu.memory_space<semaphore_mem>>) {add = true}
        %dma_wait3A_256 = arith.constant 0 : i32
        %dma_wait3A_257 = tpu.memref_slice %arg7[%run_scoped3A_158, %dma_wait3A_256] : memref<8x80xi32, #tpu.memory_space<vmem>> -> memref<1x80xi32, #tpu.memory_space<vmem>>
        %dma_wait3A_258 = tpu.memref_squeeze %dma_wait3A_257 : memref<1x80xi32, #tpu.memory_space<vmem>> -> memref<80xi32, #tpu.memory_space<vmem>>
        %dma_wait3A_259 = arith.constant 0 : i32
        %dma_wait3A_260 = arith.constant 0 : i32
        %dma_wait3A_261 = tpu.memref_slice %arg11[%dma_wait3A_259, %dma_wait3A_260] : memref<10000x128xf32, #tpu.memory_space<vmem_shared>> -> memref<10000x128xf32, #tpu.memory_space<vmem_shared>>
        tpu.wait_indirect_dma semaphore(%run_scoped3A_249 : memref<!tpu.dma_semaphore, #tpu.memory_space<semaphore_mem>>) src(%arg9 : memref<80x128xf32, #tpu.memory_space<vmem>>) dst(%dma_wait3A_261 : memref<10000x128xf32, #tpu.memory_space<vmem_shared>>)
        tpu.yield
      }) : () -> ()
      %add3A_159 = arith.constant 3 : i32
      %add3A_160 = arith.addi %mul3A_115, %add3A_159 : i32
      %mul3A_161 = arith.constant 10000 : i32
      %mul3A_162 = arith.muli %add3A, %mul3A_161 : i32
      %mul3A_163 = arith.constant 80 : i32
      %mul3A_164 = arith.muli %add3A_160, %mul3A_163 : i32
      %add3A_165 = arith.addi %mul3A_162, %mul3A_164 : i32
      %dma_start3A_166 = arith.constant 1 : i32
      %dma_start3A_167 = arith.constant 0 : i32
      %dma_start3A_168 = tpu.memref_slice %arg7[%dma_start3A_166, %dma_start3A_167] : memref<8x80xi32, #tpu.memory_space<vmem>> -> memref<1x80xi32, #tpu.memory_space<vmem>>
      %dma_start3A_169 = tpu.memref_squeeze %dma_start3A_168 : memref<1x80xi32, #tpu.memory_space<vmem>> -> memref<80xi32, #tpu.memory_space<vmem>>
      %dma_start3A_170 = tpu.memref_slice %arg4[%add3A_165] : memref<320000xi32, #tpu.memory_space<hbm>> -> memref<80xi32, #tpu.memory_space<hbm>>
      %dma_start3A_171 = arith.constant 0 : i32
      %dma_start3A_172 = tpu.memref_slice %arg7[%dma_start3A_166, %dma_start3A_171] : memref<8x80xi32, #tpu.memory_space<vmem>> -> memref<1x80xi32, #tpu.memory_space<vmem>>
      %dma_start3A_173 = tpu.memref_squeeze %dma_start3A_172 : memref<1x80xi32, #tpu.memory_space<vmem>> -> memref<80xi32, #tpu.memory_space<vmem>>
      %dma_start3A_174 = tpu.memref_slice %arg4[%add3A_165] : memref<320000xi32, #tpu.memory_space<hbm>> -> memref<80xi32, #tpu.memory_space<hbm>>
      tpu.enqueue_dma source(%dma_start3A_174 : memref<80xi32, #tpu.memory_space<hbm>>) target(%dma_start3A_173 : memref<80xi32, #tpu.memory_space<vmem>>) target_semaphore(%arg13 : memref<!tpu.dma_semaphore, #tpu.memory_space<semaphore_mem>>)
      %mul3A_175 = arith.constant 80 : i32
      %mul3A_176 = arith.muli %add3A_160, %mul3A_175 : i32
      %dma_start3A_177 = tpu.memref_slice %arg6[%mul3A_176] : memref<10000xi32, #tpu.memory_space<vmem>> -> memref<80xi32, #tpu.memory_space<vmem>>
      %dma_start3A_178 = arith.constant 0 : i32
      %dma_start3A_179 = arith.constant 0 : i32
      %dma_start3A_180 = tpu.memref_slice %arg2[%dma_start3A_178, %dma_start3A_179] : memref<10000x128xf32, #tpu.memory_space<hbm>> -> memref<10000x128xf32, #tpu.memory_space<hbm>>
      tpu.enqueue_indirect_dma source(%dma_start3A_180 : memref<10000x128xf32, #tpu.memory_space<hbm>>) target(%arg9 : memref<80x128xf32, #tpu.memory_space<vmem>>) offsets(%dma_start3A_177 : memref<80xi32, #tpu.memory_space<vmem>>) semaphore(%arg13 : memref<!tpu.dma_semaphore, #tpu.memory_space<semaphore_mem>>)
      %add3A_181 = arith.constant 1 : i32
      %add3A_182 = arith.addi %mul3A_115, %add3A_181 : i32
      %mul3A_183 = arith.constant 10000 : i32
      %mul3A_184 = arith.muli %add3A, %mul3A_183 : i32
      %mul3A_185 = arith.constant 80 : i32
      %mul3A_186 = arith.muli %add3A_182, %mul3A_185 : i32
      %add3A_187 = arith.addi %mul3A_184, %mul3A_186 : i32
      %dma_wait3A_188 = arith.constant 2 : i32
      %dma_wait3A_189 = arith.constant 0 : i32
      %dma_wait3A_190 = tpu.memref_slice %arg7[%dma_wait3A_188, %dma_wait3A_189] : memref<8x80xi32, #tpu.memory_space<vmem>> -> memref<1x80xi32, #tpu.memory_space<vmem>>
      %dma_wait3A_191 = tpu.memref_squeeze %dma_wait3A_190 : memref<1x80xi32, #tpu.memory_space<vmem>> -> memref<80xi32, #tpu.memory_space<vmem>>
      %dma_wait3A_192 = tpu.memref_slice %arg4[%add3A_187] : memref<320000xi32, #tpu.memory_space<hbm>> -> memref<80xi32, #tpu.memory_space<hbm>>
      %dma_wait3A_193 = arith.constant 0 : i32
      %dma_wait3A_194 = tpu.memref_slice %arg7[%dma_wait3A_188, %dma_wait3A_193] : memref<8x80xi32, #tpu.memory_space<vmem>> -> memref<1x80xi32, #tpu.memory_space<vmem>>
      %dma_wait3A_195 = tpu.memref_squeeze %dma_wait3A_194 : memref<1x80xi32, #tpu.memory_space<vmem>> -> memref<80xi32, #tpu.memory_space<vmem>>
      %dma_wait3A_196 = tpu.memref_slice %arg4[%add3A_187] : memref<320000xi32, #tpu.memory_space<hbm>> -> memref<80xi32, #tpu.memory_space<hbm>>
      tpu.wait_dma2 semaphore(%arg14 : memref<!tpu.dma_semaphore, #tpu.memory_space<semaphore_mem>>) src(%dma_wait3A_196 : memref<80xi32, #tpu.memory_space<hbm>>) dst(%dma_wait3A_195 : memref<80xi32, #tpu.memory_space<vmem>>)
      %mul3A_197 = arith.constant 80 : i32
      %mul3A_198 = arith.muli %add3A_182, %mul3A_197 : i32
      %dma_wait3A_199 = tpu.memref_slice %arg6[%mul3A_198] : memref<10000xi32, #tpu.memory_space<vmem>> -> memref<80xi32, #tpu.memory_space<vmem>>
      %dma_wait3A_200 = arith.constant 0 : i32
      %dma_wait3A_201 = arith.constant 0 : i32
      %dma_wait3A_202 = tpu.memref_slice %arg2[%dma_wait3A_200, %dma_wait3A_201] : memref<10000x128xf32, #tpu.memory_space<hbm>> -> memref<10000x128xf32, #tpu.memory_space<hbm>>
      tpu.wait_indirect_dma semaphore(%arg14 : memref<!tpu.dma_semaphore, #tpu.memory_space<semaphore_mem>>) src(%dma_wait3A_202 : memref<10000x128xf32, #tpu.memory_space<hbm>>) dst(%arg10 : memref<80x128xf32, #tpu.memory_space<vmem>>)
      %run_scoped3A_203 = arith.constant 2 : i32
      "tpu.region"() ({
        %run_scoped3A_249 = tpu.sem_alloc : memref<!tpu.dma_semaphore, #tpu.memory_space<semaphore_mem>>
        %dma_start3A_250 = arith.constant 0 : i32
        %dma_start3A_251 = tpu.memref_slice %arg7[%run_scoped3A_203, %dma_start3A_250] : memref<8x80xi32, #tpu.memory_space<vmem>> -> memref<1x80xi32, #tpu.memory_space<vmem>>
        %dma_start3A_252 = tpu.memref_squeeze %dma_start3A_251 : memref<1x80xi32, #tpu.memory_space<vmem>> -> memref<80xi32, #tpu.memory_space<vmem>>
        %dma_start3A_253 = arith.constant 0 : i32
        %dma_start3A_254 = arith.constant 0 : i32
        %dma_start3A_255 = tpu.memref_slice %arg11[%dma_start3A_253, %dma_start3A_254] : memref<10000x128xf32, #tpu.memory_space<vmem_shared>> -> memref<10000x128xf32, #tpu.memory_space<vmem_shared>>
        tpu.enqueue_indirect_dma source(%arg10 : memref<80x128xf32, #tpu.memory_space<vmem>>) target(%dma_start3A_255 : memref<10000x128xf32, #tpu.memory_space<vmem_shared>>) offsets(%dma_start3A_252 : memref<80xi32, #tpu.memory_space<vmem>>) semaphore(%run_scoped3A_249 : memref<!tpu.dma_semaphore, #tpu.memory_space<semaphore_mem>>) {add = true}
        %dma_wait3A_256 = arith.constant 0 : i32
        %dma_wait3A_257 = tpu.memref_slice %arg7[%run_scoped3A_203, %dma_wait3A_256] : memref<8x80xi32, #tpu.memory_space<vmem>> -> memref<1x80xi32, #tpu.memory_space<vmem>>
        %dma_wait3A_258 = tpu.memref_squeeze %dma_wait3A_257 : memref<1x80xi32, #tpu.memory_space<vmem>> -> memref<80xi32, #tpu.memory_space<vmem>>
        %dma_wait3A_259 = arith.constant 0 : i32
        %dma_wait3A_260 = arith.constant 0 : i32
        %dma_wait3A_261 = tpu.memref_slice %arg11[%dma_wait3A_259, %dma_wait3A_260] : memref<10000x128xf32, #tpu.memory_space<vmem_shared>> -> memref<10000x128xf32, #tpu.memory_space<vmem_shared>>
        tpu.wait_indirect_dma semaphore(%run_scoped3A_249 : memref<!tpu.dma_semaphore, #tpu.memory_space<semaphore_mem>>) src(%arg10 : memref<80x128xf32, #tpu.memory_space<vmem>>) dst(%dma_wait3A_261 : memref<10000x128xf32, #tpu.memory_space<vmem_shared>>)
        tpu.yield
      }) : () -> ()
      %add3A_204 = arith.constant 4 : i32
      %add3A_205 = arith.addi %mul3A_115, %add3A_204 : i32
      %mul3A_206 = arith.constant 10000 : i32
      %mul3A_207 = arith.muli %add3A, %mul3A_206 : i32
      %mul3A_208 = arith.constant 80 : i32
      %mul3A_209 = arith.muli %add3A_205, %mul3A_208 : i32
      %add3A_210 = arith.addi %mul3A_207, %mul3A_209 : i32
      %dma_start3A_211 = arith.constant 2 : i32
      %dma_start3A_212 = arith.constant 0 : i32
      %dma_start3A_213 = tpu.memref_slice %arg7[%dma_start3A_211, %dma_start3A_212] : memref<8x80xi32, #tpu.memory_space<vmem>> -> memref<1x80xi32, #tpu.memory_space<vmem>>
      %dma_start3A_214 = tpu.memref_squeeze %dma_start3A_213 : memref<1x80xi32, #tpu.memory_space<vmem>> -> memref<80xi32, #tpu.memory_space<vmem>>
      %dma_start3A_215 = tpu.memref_slice %arg4[%add3A_210] : memref<320000xi32, #tpu.memory_space<hbm>> -> memref<80xi32, #tpu.memory_space<hbm>>
      %dma_start3A_216 = arith.constant 0 : i32
      %dma_start3A_217 = tpu.memref_slice %arg7[%dma_start3A_211, %dma_start3A_216] : memref<8x80xi32, #tpu.memory_space<vmem>> -> memref<1x80xi32, #tpu.memory_space<vmem>>
      %dma_start3A_218 = tpu.memref_squeeze %dma_start3A_217 : memref<1x80xi32, #tpu.memory_space<vmem>> -> memref<80xi32, #tpu.memory_space<vmem>>
      %dma_start3A_219 = tpu.memref_slice %arg4[%add3A_210] : memref<320000xi32, #tpu.memory_space<hbm>> -> memref<80xi32, #tpu.memory_space<hbm>>
      tpu.enqueue_dma source(%dma_start3A_219 : memref<80xi32, #tpu.memory_space<hbm>>) target(%dma_start3A_218 : memref<80xi32, #tpu.memory_space<vmem>>) target_semaphore(%arg14 : memref<!tpu.dma_semaphore, #tpu.memory_space<semaphore_mem>>)
      %mul3A_220 = arith.constant 80 : i32
      %mul3A_221 = arith.muli %add3A_205, %mul3A_220 : i32
      %dma_start3A_222 = tpu.memref_slice %arg6[%mul3A_221] : memref<10000xi32, #tpu.memory_space<vmem>> -> memref<80xi32, #tpu.memory_space<vmem>>
      %dma_start3A_223 = arith.constant 0 : i32
      %dma_start3A_224 = arith.constant 0 : i32
      %dma_start3A_225 = tpu.memref_slice %arg2[%dma_start3A_223, %dma_start3A_224] : memref<10000x128xf32, #tpu.memory_space<hbm>> -> memref<10000x128xf32, #tpu.memory_space<hbm>>
      tpu.enqueue_indirect_dma source(%dma_start3A_225 : memref<10000x128xf32, #tpu.memory_space<hbm>>) target(%arg10 : memref<80x128xf32, #tpu.memory_space<vmem>>) offsets(%dma_start3A_222 : memref<80xi32, #tpu.memory_space<vmem>>) semaphore(%arg14 : memref<!tpu.dma_semaphore, #tpu.memory_space<semaphore_mem>>)
      %add3A_226 = arith.constant 2 : i32
      %add3A_227 = arith.addi %mul3A_115, %add3A_226 : i32
      %mul3A_228 = arith.constant 10000 : i32
      %mul3A_229 = arith.muli %add3A, %mul3A_228 : i32
      %mul3A_230 = arith.constant 80 : i32
      %mul3A_231 = arith.muli %add3A_227, %mul3A_230 : i32
      %add3A_232 = arith.addi %mul3A_229, %mul3A_231 : i32
      %dma_wait3A_233 = arith.constant 0 : i32
      %dma_wait3A_234 = arith.constant 0 : i32
      %dma_wait3A_235 = tpu.memref_slice %arg7[%dma_wait3A_233, %dma_wait3A_234] : memref<8x80xi32, #tpu.memory_space<vmem>> -> memref<1x80xi32, #tpu.memory_space<vmem>>
      %dma_wait3A_236 = tpu.memref_squeeze %dma_wait3A_235 : memref<1x80xi32, #tpu.memory_space<vmem>> -> memref<80xi32, #tpu.memory_space<vmem>>
      %dma_wait3A_237 = tpu.memref_slice %arg4[%add3A_232] : memref<320000xi32, #tpu.memory_space<hbm>> -> memref<80xi32, #tpu.memory_space<hbm>>
      %dma_wait3A_238 = arith.constant 0 : i32
      %dma_wait3A_239 = tpu.memref_slice %arg7[%dma_wait3A_233, %dma_wait3A_238] : memref<8x80xi32, #tpu.memory_space<vmem>> -> memref<1x80xi32, #tpu.memory_space<vmem>>
      %dma_wait3A_240 = tpu.memref_squeeze %dma_wait3A_239 : memref<1x80xi32, #tpu.memory_space<vmem>> -> memref<80xi32, #tpu.memory_space<vmem>>
      %dma_wait3A_241 = tpu.memref_slice %arg4[%add3A_232] : memref<320000xi32, #tpu.memory_space<hbm>> -> memref<80xi32, #tpu.memory_space<hbm>>
      tpu.wait_dma2 semaphore(%arg12 : memref<!tpu.dma_semaphore, #tpu.memory_space<semaphore_mem>>) src(%dma_wait3A_241 : memref<80xi32, #tpu.memory_space<hbm>>) dst(%dma_wait3A_240 : memref<80xi32, #tpu.memory_space<vmem>>)
      %mul3A_242 = arith.constant 80 : i32
      %mul3A_243 = arith.muli %add3A_227, %mul3A_242 : i32
      %dma_wait3A_244 = tpu.memref_slice %arg6[%mul3A_243] : memref<10000xi32, #tpu.memory_space<vmem>> -> memref<80xi32, #tpu.memory_space<vmem>>
      %dma_wait3A_245 = arith.constant 0 : i32
      %dma_wait3A_246 = arith.constant 0 : i32
      %dma_wait3A_247 = tpu.memref_slice %arg2[%dma_wait3A_245, %dma_wait3A_246] : memref<10000x128xf32, #tpu.memory_space<hbm>> -> memref<10000x128xf32, #tpu.memory_space<hbm>>
      tpu.wait_indirect_dma semaphore(%arg12 : memref<!tpu.dma_semaphore, #tpu.memory_space<semaphore_mem>>) src(%dma_wait3A_247 : memref<10000x128xf32, #tpu.memory_space<hbm>>) dst(%arg8 : memref<80x128xf32, #tpu.memory_space<vmem>>)
      %run_scoped3A_248 = arith.constant 0 : i32
      "tpu.region"() ({
        %run_scoped3A_249 = tpu.sem_alloc : memref<!tpu.dma_semaphore, #tpu.memory_space<semaphore_mem>>
        %dma_start3A_250 = arith.constant 0 : i32
        %dma_start3A_251 = tpu.memref_slice %arg7[%run_scoped3A_248, %dma_start3A_250] : memref<8x80xi32, #tpu.memory_space<vmem>> -> memref<1x80xi32, #tpu.memory_space<vmem>>
        %dma_start3A_252 = tpu.memref_squeeze %dma_start3A_251 : memref<1x80xi32, #tpu.memory_space<vmem>> -> memref<80xi32, #tpu.memory_space<vmem>>
        %dma_start3A_253 = arith.constant 0 : i32
        %dma_start3A_254 = arith.constant 0 : i32
        %dma_start3A_255 = tpu.memref_slice %arg11[%dma_start3A_253, %dma_start3A_254] : memref<10000x128xf32, #tpu.memory_space<vmem_shared>> -> memref<10000x128xf32, #tpu.memory_space<vmem_shared>>
        tpu.enqueue_indirect_dma source(%arg8 : memref<80x128xf32, #tpu.memory_space<vmem>>) target(%dma_start3A_255 : memref<10000x128xf32, #tpu.memory_space<vmem_shared>>) offsets(%dma_start3A_252 : memref<80xi32, #tpu.memory_space<vmem>>) semaphore(%run_scoped3A_249 : memref<!tpu.dma_semaphore, #tpu.memory_space<semaphore_mem>>) {add = true}
        %dma_wait3A_256 = arith.constant 0 : i32
        %dma_wait3A_257 = tpu.memref_slice %arg7[%run_scoped3A_248, %dma_wait3A_256] : memref<8x80xi32, #tpu.memory_space<vmem>> -> memref<1x80xi32, #tpu.memory_space<vmem>>
        %dma_wait3A_258 = tpu.memref_squeeze %dma_wait3A_257 : memref<1x80xi32, #tpu.memory_space<vmem>> -> memref<80xi32, #tpu.memory_space<vmem>>
        %dma_wait3A_259 = arith.constant 0 : i32
        %dma_wait3A_260 = arith.constant 0 : i32
        %dma_wait3A_261 = tpu.memref_slice %arg11[%dma_wait3A_259, %dma_wait3A_260] : memref<10000x128xf32, #tpu.memory_space<vmem_shared>> -> memref<10000x128xf32, #tpu.memory_space<vmem_shared>>
        tpu.wait_indirect_dma semaphore(%run_scoped3A_249 : memref<!tpu.dma_semaphore, #tpu.memory_space<semaphore_mem>>) src(%arg8 : memref<80x128xf32, #tpu.memory_space<vmem>>) dst(%dma_wait3A_261 : memref<10000x128xf32, #tpu.memory_space<vmem_shared>>)
        tpu.yield
      }) : () -> ()
    }
    %scan3A_71 = arith.constant 41 : i32
    %mul3A_72 = arith.constant 10000 : i32
    %mul3A_73 = arith.muli %add3A, %mul3A_72 : i32
    %add3A_74 = arith.constant 9840 : i32
    %add3A_75 = arith.addi %mul3A_73, %add3A_74 : i32
    %dma_wait3A_76 = arith.constant 1 : i32
    %dma_wait3A_77 = arith.constant 0 : i32
    %dma_wait3A_78 = tpu.memref_slice %arg7[%dma_wait3A_76, %dma_wait3A_77] : memref<8x80xi32, #tpu.memory_space<vmem>> -> memref<1x80xi32, #tpu.memory_space<vmem>>
    %dma_wait3A_79 = tpu.memref_squeeze %dma_wait3A_78 : memref<1x80xi32, #tpu.memory_space<vmem>> -> memref<80xi32, #tpu.memory_space<vmem>>
    %dma_wait3A_80 = tpu.memref_slice %arg4[%add3A_75] : memref<320000xi32, #tpu.memory_space<hbm>> -> memref<80xi32, #tpu.memory_space<hbm>>
    %dma_wait3A_81 = arith.constant 0 : i32
    %dma_wait3A_82 = tpu.memref_slice %arg7[%dma_wait3A_76, %dma_wait3A_81] : memref<8x80xi32, #tpu.memory_space<vmem>> -> memref<1x80xi32, #tpu.memory_space<vmem>>
    %dma_wait3A_83 = tpu.memref_squeeze %dma_wait3A_82 : memref<1x80xi32, #tpu.memory_space<vmem>> -> memref<80xi32, #tpu.memory_space<vmem>>
    %dma_wait3A_84 = tpu.memref_slice %arg4[%add3A_75] : memref<320000xi32, #tpu.memory_space<hbm>> -> memref<80xi32, #tpu.memory_space<hbm>>
    tpu.wait_dma2 semaphore(%arg13 : memref<!tpu.dma_semaphore, #tpu.memory_space<semaphore_mem>>) src(%dma_wait3A_84 : memref<80xi32, #tpu.memory_space<hbm>>) dst(%dma_wait3A_83 : memref<80xi32, #tpu.memory_space<vmem>>)
    %dma_wait3A_85 = arith.constant 9840 : i32
    %dma_wait3A_86 = tpu.memref_slice %arg6[%dma_wait3A_85] : memref<10000xi32, #tpu.memory_space<vmem>> -> memref<80xi32, #tpu.memory_space<vmem>>
    %dma_wait3A_87 = arith.constant 0 : i32
    %dma_wait3A_88 = arith.constant 0 : i32
    %dma_wait3A_89 = tpu.memref_slice %arg2[%dma_wait3A_87, %dma_wait3A_88] : memref<10000x128xf32, #tpu.memory_space<hbm>> -> memref<10000x128xf32, #tpu.memory_space<hbm>>
    tpu.wait_indirect_dma semaphore(%arg13 : memref<!tpu.dma_semaphore, #tpu.memory_space<semaphore_mem>>) src(%dma_wait3A_89 : memref<10000x128xf32, #tpu.memory_space<hbm>>) dst(%arg9 : memref<80x128xf32, #tpu.memory_space<vmem>>)
    %run_scoped3A = arith.constant 1 : i32
    "tpu.region"() ({
      %run_scoped3A_113 = tpu.sem_alloc : memref<!tpu.dma_semaphore, #tpu.memory_space<semaphore_mem>>
      %dma_start3A_114 = arith.constant 0 : i32
      %dma_start3A_115 = tpu.memref_slice %arg7[%run_scoped3A, %dma_start3A_114] : memref<8x80xi32, #tpu.memory_space<vmem>> -> memref<1x80xi32, #tpu.memory_space<vmem>>
      %dma_start3A_116 = tpu.memref_squeeze %dma_start3A_115 : memref<1x80xi32, #tpu.memory_space<vmem>> -> memref<80xi32, #tpu.memory_space<vmem>>
      %dma_start3A_117 = arith.constant 0 : i32
      %dma_start3A_118 = arith.constant 0 : i32
      %dma_start3A_119 = tpu.memref_slice %arg11[%dma_start3A_117, %dma_start3A_118] : memref<10000x128xf32, #tpu.memory_space<vmem_shared>> -> memref<10000x128xf32, #tpu.memory_space<vmem_shared>>
      tpu.enqueue_indirect_dma source(%arg9 : memref<80x128xf32, #tpu.memory_space<vmem>>) target(%dma_start3A_119 : memref<10000x128xf32, #tpu.memory_space<vmem_shared>>) offsets(%dma_start3A_116 : memref<80xi32, #tpu.memory_space<vmem>>) semaphore(%run_scoped3A_113 : memref<!tpu.dma_semaphore, #tpu.memory_space<semaphore_mem>>) {add = true}
      %dma_wait3A_120 = arith.constant 0 : i32
      %dma_wait3A_121 = tpu.memref_slice %arg7[%run_scoped3A, %dma_wait3A_120] : memref<8x80xi32, #tpu.memory_space<vmem>> -> memref<1x80xi32, #tpu.memory_space<vmem>>
      %dma_wait3A_122 = tpu.memref_squeeze %dma_wait3A_121 : memref<1x80xi32, #tpu.memory_space<vmem>> -> memref<80xi32, #tpu.memory_space<vmem>>
      %dma_wait3A_123 = arith.constant 0 : i32
      %dma_wait3A_124 = arith.constant 0 : i32
      %dma_wait3A_125 = tpu.memref_slice %arg11[%dma_wait3A_123, %dma_wait3A_124] : memref<10000x128xf32, #tpu.memory_space<vmem_shared>> -> memref<10000x128xf32, #tpu.memory_space<vmem_shared>>
      tpu.wait_indirect_dma semaphore(%run_scoped3A_113 : memref<!tpu.dma_semaphore, #tpu.memory_space<semaphore_mem>>) src(%arg9 : memref<80x128xf32, #tpu.memory_space<vmem>>) dst(%dma_wait3A_125 : memref<10000x128xf32, #tpu.memory_space<vmem_shared>>)
      tpu.yield
    }) : () -> ()
    %mul3A_90 = arith.constant 10000 : i32
    %mul3A_91 = arith.muli %add3A, %mul3A_90 : i32
    %add3A_92 = arith.constant 9920 : i32
    %add3A_93 = arith.addi %mul3A_91, %add3A_92 : i32
    %dma_wait3A_94 = arith.constant 2 : i32
    %dma_wait3A_95 = arith.constant 0 : i32
    %dma_wait3A_96 = tpu.memref_slice %arg7[%dma_wait3A_94, %dma_wait3A_95] : memref<8x80xi32, #tpu.memory_space<vmem>> -> memref<1x80xi32, #tpu.memory_space<vmem>>
    %dma_wait3A_97 = tpu.memref_squeeze %dma_wait3A_96 : memref<1x80xi32, #tpu.memory_space<vmem>> -> memref<80xi32, #tpu.memory_space<vmem>>
    %dma_wait3A_98 = tpu.memref_slice %arg4[%add3A_93] : memref<320000xi32, #tpu.memory_space<hbm>> -> memref<80xi32, #tpu.memory_space<hbm>>
    %dma_wait3A_99 = arith.constant 0 : i32
    %dma_wait3A_100 = tpu.memref_slice %arg7[%dma_wait3A_94, %dma_wait3A_99] : memref<8x80xi32, #tpu.memory_space<vmem>> -> memref<1x80xi32, #tpu.memory_space<vmem>>
    %dma_wait3A_101 = tpu.memref_squeeze %dma_wait3A_100 : memref<1x80xi32, #tpu.memory_space<vmem>> -> memref<80xi32, #tpu.memory_space<vmem>>
    %dma_wait3A_102 = tpu.memref_slice %arg4[%add3A_93] : memref<320000xi32, #tpu.memory_space<hbm>> -> memref<80xi32, #tpu.memory_space<hbm>>
    tpu.wait_dma2 semaphore(%arg14 : memref<!tpu.dma_semaphore, #tpu.memory_space<semaphore_mem>>) src(%dma_wait3A_102 : memref<80xi32, #tpu.memory_space<hbm>>) dst(%dma_wait3A_101 : memref<80xi32, #tpu.memory_space<vmem>>)
    %dma_wait3A_103 = arith.constant 9920 : i32
    %dma_wait3A_104 = tpu.memref_slice %arg6[%dma_wait3A_103] : memref<10000xi32, #tpu.memory_space<vmem>> -> memref<80xi32, #tpu.memory_space<vmem>>
    %dma_wait3A_105 = arith.constant 0 : i32
    %dma_wait3A_106 = arith.constant 0 : i32
    %dma_wait3A_107 = tpu.memref_slice %arg2[%dma_wait3A_105, %dma_wait3A_106] : memref<10000x128xf32, #tpu.memory_space<hbm>> -> memref<10000x128xf32, #tpu.memory_space<hbm>>
    tpu.wait_indirect_dma semaphore(%arg14 : memref<!tpu.dma_semaphore, #tpu.memory_space<semaphore_mem>>) src(%dma_wait3A_107 : memref<10000x128xf32, #tpu.memory_space<hbm>>) dst(%arg10 : memref<80x128xf32, #tpu.memory_space<vmem>>)
    %run_scoped3A_108 = arith.constant 2 : i32
    "tpu.region"() ({
      %run_scoped3A_113 = tpu.sem_alloc : memref<!tpu.dma_semaphore, #tpu.memory_space<semaphore_mem>>
      %dma_start3A_114 = arith.constant 0 : i32
      %dma_start3A_115 = tpu.memref_slice %arg7[%run_scoped3A_108, %dma_start3A_114] : memref<8x80xi32, #tpu.memory_space<vmem>> -> memref<1x80xi32, #tpu.memory_space<vmem>>
      %dma_start3A_116 = tpu.memref_squeeze %dma_start3A_115 : memref<1x80xi32, #tpu.memory_space<vmem>> -> memref<80xi32, #tpu.memory_space<vmem>>
      %dma_start3A_117 = arith.constant 0 : i32
      %dma_start3A_118 = arith.constant 0 : i32
      %dma_start3A_119 = tpu.memref_slice %arg11[%dma_start3A_117, %dma_start3A_118] : memref<10000x128xf32, #tpu.memory_space<vmem_shared>> -> memref<10000x128xf32, #tpu.memory_space<vmem_shared>>
      tpu.enqueue_indirect_dma source(%arg10 : memref<80x128xf32, #tpu.memory_space<vmem>>) target(%dma_start3A_119 : memref<10000x128xf32, #tpu.memory_space<vmem_shared>>) offsets(%dma_start3A_116 : memref<80xi32, #tpu.memory_space<vmem>>) semaphore(%run_scoped3A_113 : memref<!tpu.dma_semaphore, #tpu.memory_space<semaphore_mem>>) {add = true}
      %dma_wait3A_120 = arith.constant 0 : i32
      %dma_wait3A_121 = tpu.memref_slice %arg7[%run_scoped3A_108, %dma_wait3A_120] : memref<8x80xi32, #tpu.memory_space<vmem>> -> memref<1x80xi32, #tpu.memory_space<vmem>>
      %dma_wait3A_122 = tpu.memref_squeeze %dma_wait3A_121 : memref<1x80xi32, #tpu.memory_space<vmem>> -> memref<80xi32, #tpu.memory_space<vmem>>
      %dma_wait3A_123 = arith.constant 0 : i32
      %dma_wait3A_124 = arith.constant 0 : i32
      %dma_wait3A_125 = tpu.memref_slice %arg11[%dma_wait3A_123, %dma_wait3A_124] : memref<10000x128xf32, #tpu.memory_space<vmem_shared>> -> memref<10000x128xf32, #tpu.memory_space<vmem_shared>>
      tpu.wait_indirect_dma semaphore(%run_scoped3A_113 : memref<!tpu.dma_semaphore, #tpu.memory_space<semaphore_mem>>) src(%arg10 : memref<80x128xf32, #tpu.memory_space<vmem>>) dst(%dma_wait3A_125 : memref<10000x128xf32, #tpu.memory_space<vmem_shared>>)
      tpu.yield
    }) : () -> ()
    %barrier3A_109 = arith.constant 0 : index
    tpu.barrier barrier_id(%barrier3A_109)
    %mul3A_110 = arith.constant 10000 : i32
    %mul3A_111 = arith.muli %arg0, %mul3A_110 : i32
    %add3A_112 = arith.addi %mul3A_111, %mul3A_49 : i32
    "tpu.region"() ({
      %run_scoped3A_113 = tpu.sem_alloc : memref<!tpu.dma_semaphore, #tpu.memory_space<semaphore_mem>>
      %dma_start3A_114 = arith.constant 0 : i32
      %dma_start3A_115 = tpu.memref_slice %arg5[%add3A_112, %dma_start3A_114] : memref<20000x128xf32, #tpu.memory_space<hbm>> -> memref<640x128xf32, #tpu.memory_space<hbm>>
      %dma_start3A_116 = arith.constant 0 : i32
      %dma_start3A_117 = tpu.memref_slice %arg11[%mul3A_49, %dma_start3A_116] : memref<10000x128xf32, #tpu.memory_space<vmem_shared>> -> memref<640x128xf32, #tpu.memory_space<vmem_shared>>
      tpu.enqueue_dma source(%dma_start3A_117 : memref<640x128xf32, #tpu.memory_space<vmem_shared>>) target(%dma_start3A_115 : memref<640x128xf32, #tpu.memory_space<hbm>>) target_semaphore(%run_scoped3A_113 : memref<!tpu.dma_semaphore, #tpu.memory_space<semaphore_mem>>)
      %dma_wait3A_118 = arith.constant 0 : i32
      %dma_wait3A_119 = tpu.memref_slice %arg5[%add3A_112, %dma_wait3A_118] : memref<20000x128xf32, #tpu.memory_space<hbm>> -> memref<640x128xf32, #tpu.memory_space<hbm>>
      %dma_wait3A_120 = arith.constant 0 : i32
      %dma_wait3A_121 = tpu.memref_slice %arg11[%mul3A_49, %dma_wait3A_120] : memref<10000x128xf32, #tpu.memory_space<vmem_shared>> -> memref<640x128xf32, #tpu.memory_space<vmem_shared>>
      tpu.wait_dma2 semaphore(%run_scoped3A_113 : memref<!tpu.dma_semaphore, #tpu.memory_space<semaphore_mem>>) src(%dma_wait3A_121 : memref<640x128xf32, #tpu.memory_space<vmem_shared>>) dst(%dma_wait3A_119 : memref<640x128xf32, #tpu.memory_space<hbm>>)
      tpu.yield
    }) : () -> ()
    return
  }
}

module attributes {stable_mosaic.version = 14 : i64} {
  func.func @_mlp_body(%arg0: i32, %arg1: memref<2000x128xf32, #tpu.memory_space<vmem>>, %arg2: memref<2000x128xf32, #tpu.memory_space<vmem>>, %arg3: memref<2000x128xf32, #tpu.memory_space<vmem>>, %arg4: memref<128x128xf32, #tpu.memory_space<vmem>>, %arg5: memref<1x128xf32, #tpu.memory_space<vmem>>, %arg6: memref<128x128xf32, #tpu.memory_space<vmem>>, %arg7: memref<1x128xf32, #tpu.memory_space<vmem>>, %arg8: memref<1x128xf32, #tpu.memory_space<vmem>>, %arg9: memref<1x128xf32, #tpu.memory_space<vmem>>, %arg10: memref<2000x128xf32, #tpu.memory_space<vmem>>) attributes {dimension_semantics = [#tpu.dimension_semantics<arbitrary>], iteration_bounds = array<i64: 5>, scalar_prefetch = 0 : i64, scratch_operands = 0 : i64, tpu.core_type = #tpu.core_type<tc>, window_params = [{transform_indices = @transform_0, window_bounds = array<i64: 2000, 128>}, {transform_indices = @transform_1, window_bounds = array<i64: 2000, 128>}, {transform_indices = @transform_2, window_bounds = array<i64: 2000, 128>}, {pipeline_mode = #tpu.pipeline_mode<synchronous>, transform_indices = @transform_3, window_bounds = array<i64: 128, 128>}, {pipeline_mode = #tpu.pipeline_mode<synchronous>, transform_indices = @transform_4, window_bounds = array<i64: 1, 128>}, {pipeline_mode = #tpu.pipeline_mode<synchronous>, transform_indices = @transform_5, window_bounds = array<i64: 128, 128>}, {pipeline_mode = #tpu.pipeline_mode<synchronous>, transform_indices = @transform_6, window_bounds = array<i64: 1, 128>}, {pipeline_mode = #tpu.pipeline_mode<synchronous>, transform_indices = @transform_7, window_bounds = array<i64: 1, 128>}, {pipeline_mode = #tpu.pipeline_mode<synchronous>, transform_indices = @transform_8, window_bounds = array<i64: 1, 128>}, {transform_indices = @transform_9, window_bounds = array<i64: 2000, 128>}]} {
    %get3A = arith.constant 0 : index
    %get3A_0 = arith.constant 0 : index
    %get3A_1 = vector.load %arg1[%get3A, %get3A_0] : memref<2000x128xf32, #tpu.memory_space<vmem>>, vector<2000x128xf32>
    %get3A_2 = arith.constant 0 : index
    %get3A_3 = arith.constant 0 : index
    %get3A_4 = vector.load %arg2[%get3A_2, %get3A_3] : memref<2000x128xf32, #tpu.memory_space<vmem>>, vector<2000x128xf32>
    %add3A = arith.addf %get3A_1, %get3A_4 : vector<2000x128xf32>
    %get3A_5 = arith.constant 0 : index
    %get3A_6 = arith.constant 0 : index
    %get3A_7 = vector.load %arg3[%get3A_5, %get3A_6] : memref<2000x128xf32, #tpu.memory_space<vmem>>, vector<2000x128xf32>
    %add3A_8 = arith.addf %add3A, %get3A_7 : vector<2000x128xf32>
    %get3A_9 = arith.constant 0 : index
    %get3A_10 = arith.constant 0 : index
    %get3A_11 = vector.load %arg4[%get3A_9, %get3A_10] : memref<128x128xf32, #tpu.memory_space<vmem>>, vector<128x128xf32>
    %dot_general3A = arith.constant dense<0.000000e+00> : vector<2000x128xf32>
    %dot_general3A_12 = tpu.matmul %add3A_8, %get3A_11, %dot_general3A {dimension_numbers = #tpu.dot_dimension_numbers<[1], [1], [0], [0], [0, 0, 1, 0], [], []>, transpose_lhs_hint = false} : vector<2000x128xf32>, vector<128x128xf32>, vector<2000x128xf32> -> vector<2000x128xf32>
    %get3A_13 = arith.constant 0 : index
    %get3A_14 = arith.constant 0 : index
    %get3A_15 = vector.load %arg5[%get3A_13, %get3A_14] : memref<1x128xf32, #tpu.memory_space<vmem>>, vector<1x128xf32>
    %add3A_16 = vector.broadcast %get3A_15 : vector<1x128xf32> to vector<2000x128xf32>
    %add3A_17 = arith.addf %dot_general3A_12, %add3A_16 : vector<2000x128xf32>
    %max3A = arith.constant 0.000000e+00 : f32
    %max3A_18 = vector.broadcast %max3A : f32 to vector<2000x128xf32>
    %max3A_19 = arith.maximumf %add3A_17, %max3A_18 : vector<2000x128xf32>
    %get3A_20 = arith.constant 0 : index
    %get3A_21 = arith.constant 0 : index
    %get3A_22 = vector.load %arg6[%get3A_20, %get3A_21] : memref<128x128xf32, #tpu.memory_space<vmem>>, vector<128x128xf32>
    %dot_general3A_23 = arith.constant dense<0.000000e+00> : vector<2000x128xf32>
    %dot_general3A_24 = tpu.matmul %max3A_19, %get3A_22, %dot_general3A_23 {dimension_numbers = #tpu.dot_dimension_numbers<[1], [1], [0], [0], [0, 0, 1, 0], [], []>, transpose_lhs_hint = false} : vector<2000x128xf32>, vector<128x128xf32>, vector<2000x128xf32> -> vector<2000x128xf32>
    %get3A_25 = arith.constant 0 : index
    %get3A_26 = arith.constant 0 : index
    %get3A_27 = vector.load %arg7[%get3A_25, %get3A_26] : memref<1x128xf32, #tpu.memory_space<vmem>>, vector<1x128xf32>
    %add3A_28 = vector.broadcast %get3A_27 : vector<1x128xf32> to vector<2000x128xf32>
    %add3A_29 = arith.addf %dot_general3A_24, %add3A_28 : vector<2000x128xf32>
    %max3A_30 = arith.constant 0.000000e+00 : f32
    %max3A_31 = vector.broadcast %max3A_30 : f32 to vector<2000x128xf32>
    %max3A_32 = arith.maximumf %add3A_29, %max3A_31 : vector<2000x128xf32>
    %get3A_33 = arith.constant 0 : index
    %get3A_34 = arith.constant 0 : index
    %get3A_35 = vector.load %arg8[%get3A_33, %get3A_34] : memref<1x128xf32, #tpu.memory_space<vmem>>, vector<1x128xf32>
    %mul3A = vector.broadcast %get3A_35 : vector<1x128xf32> to vector<2000x128xf32>
    %mul3A_36 = arith.mulf %max3A_32, %mul3A : vector<2000x128xf32>
    %get3A_37 = arith.constant 0 : index
    %get3A_38 = arith.constant 0 : index
    %get3A_39 = vector.load %arg9[%get3A_37, %get3A_38] : memref<1x128xf32, #tpu.memory_space<vmem>>, vector<1x128xf32>
    %add3A_40 = vector.broadcast %get3A_39 : vector<1x128xf32> to vector<2000x128xf32>
    %add3A_41 = arith.addf %mul3A_36, %add3A_40 : vector<2000x128xf32>
    %swap3A = arith.constant 0 : index
    %swap3A_42 = arith.constant 0 : index
    %swap3A_43 = vector.load %arg10[%swap3A, %swap3A_42] : memref<2000x128xf32, #tpu.memory_space<vmem>>, vector<2000x128xf32>
    tpu.vector_store %arg10[%swap3A, %swap3A_42], %add3A_41 {strides = array<i32>} : memref<2000x128xf32, #tpu.memory_space<vmem>>, vector<2000x128xf32>,
    return
  }
  func.func @transform_0(%arg0: i32) -> (i32, i32) {
    %c0_i32 = arith.constant 0 : i32
    %c0_i32_0 = arith.constant 0 : i32
    return %arg0, %c0_i32 : i32, i32
  }
  func.func @transform_1(%arg0: i32) -> (i32, i32) {
    %c0_i32 = arith.constant 0 : i32
    %c0_i32_0 = arith.constant 0 : i32
    return %arg0, %c0_i32 : i32, i32
  }
  func.func @transform_2(%arg0: i32) -> (i32, i32) {
    %add3A = arith.constant 5 : i32
    %add3A_0 = arith.addi %arg0, %add3A : i32
    %c0_i32 = arith.constant 0 : i32
    %c0_i32_1 = arith.constant 0 : i32
    return %add3A_0, %c0_i32 : i32, i32
  }
  func.func @transform_3(%arg0: i32) -> (i32, i32) {
    %c0_i32 = arith.constant 0 : i32
    %c0_i32_0 = arith.constant 0 : i32
    %c0_i32_1 = arith.constant 0 : i32
    return %c0_i32, %c0_i32_0 : i32, i32
  }
  func.func @transform_4(%arg0: i32) -> (i32, i32) {
    %c0_i32 = arith.constant 0 : i32
    %c0_i32_0 = arith.constant 0 : i32
    %c0_i32_1 = arith.constant 0 : i32
    return %c0_i32, %c0_i32_0 : i32, i32
  }
  func.func @transform_5(%arg0: i32) -> (i32, i32) {
    %c0_i32 = arith.constant 0 : i32
    %c0_i32_0 = arith.constant 0 : i32
    %c0_i32_1 = arith.constant 0 : i32
    return %c0_i32, %c0_i32_0 : i32, i32
  }
  func.func @transform_6(%arg0: i32) -> (i32, i32) {
    %c0_i32 = arith.constant 0 : i32
    %c0_i32_0 = arith.constant 0 : i32
    %c0_i32_1 = arith.constant 0 : i32
    return %c0_i32, %c0_i32_0 : i32, i32
  }
  func.func @transform_7(%arg0: i32) -> (i32, i32) {
    %c0_i32 = arith.constant 0 : i32
    %c0_i32_0 = arith.constant 0 : i32
    %c0_i32_1 = arith.constant 0 : i32
    return %c0_i32, %c0_i32_0 : i32, i32
  }
  func.func @transform_8(%arg0: i32) -> (i32, i32) {
    %c0_i32 = arith.constant 0 : i32
    %c0_i32_0 = arith.constant 0 : i32
    %c0_i32_1 = arith.constant 0 : i32
    return %c0_i32, %c0_i32_0 : i32, i32
  }
  func.func @transform_9(%arg0: i32) -> (i32, i32) {
    %c0_i32 = arith.constant 0 : i32
    %c0_i32_0 = arith.constant 0 : i32
    return %arg0, %c0_i32 : i32, i32
  }
}

module attributes {stable_mosaic.version = 14 : i64} {
  func.func @_mlp_pool_body(%arg0: i32, %arg1: memref<2000x128xf32, #tpu.memory_space<vmem>>, %arg2: memref<2000x128xf32, #tpu.memory_space<vmem>>, %arg3: memref<2000x128xf32, #tpu.memory_space<vmem>>, %arg4: memref<128x128xf32, #tpu.memory_space<vmem>>, %arg5: memref<1x128xf32, #tpu.memory_space<vmem>>, %arg6: memref<128x128xf32, #tpu.memory_space<vmem>>, %arg7: memref<1x128xf32, #tpu.memory_space<vmem>>, %arg8: memref<1x128xf32, #tpu.memory_space<vmem>>, %arg9: memref<1x128xf32, #tpu.memory_space<vmem>>, %arg10: memref<1x1x2000xi32, #tpu.memory_space<vmem>>, %arg11: memref<128x128xf32, #tpu.memory_space<vmem>>, %arg12: memref<1x128xf32, #tpu.memory_space<vmem>>, %arg13: memref<128x128xf32, #tpu.memory_space<vmem>>, %arg14: memref<1x128xf32, #tpu.memory_space<vmem>>, %arg15: memref<64x128xf32, #tpu.memory_space<vmem>>, %arg16: memref<64x128xf32, #tpu.memory_space<vmem>>, %arg17: memref<64x128xf32, #tpu.memory_space<vmem>>) attributes {dimension_semantics = [#tpu.dimension_semantics<arbitrary>], iteration_bounds = array<i64: 5>, scalar_prefetch = 0 : i64, scratch_operands = 2 : i64, tpu.core_type = #tpu.core_type<tc>, window_params = [{transform_indices = @transform_0, window_bounds = array<i64: 2000, 128>}, {transform_indices = @transform_1, window_bounds = array<i64: 2000, 128>}, {transform_indices = @transform_2, window_bounds = array<i64: 2000, 128>}, {pipeline_mode = #tpu.pipeline_mode<synchronous>, transform_indices = @transform_3, window_bounds = array<i64: 128, 128>}, {pipeline_mode = #tpu.pipeline_mode<synchronous>, transform_indices = @transform_4, window_bounds = array<i64: 1, 128>}, {pipeline_mode = #tpu.pipeline_mode<synchronous>, transform_indices = @transform_5, window_bounds = array<i64: 128, 128>}, {pipeline_mode = #tpu.pipeline_mode<synchronous>, transform_indices = @transform_6, window_bounds = array<i64: 1, 128>}, {pipeline_mode = #tpu.pipeline_mode<synchronous>, transform_indices = @transform_7, window_bounds = array<i64: 1, 128>}, {pipeline_mode = #tpu.pipeline_mode<synchronous>, transform_indices = @transform_8, window_bounds = array<i64: 1, 128>}, {transform_indices = @transform_9, window_bounds = array<i64: 1, 1, 2000>}, {pipeline_mode = #tpu.pipeline_mode<synchronous>, transform_indices = @transform_10, window_bounds = array<i64: 128, 128>}, {pipeline_mode = #tpu.pipeline_mode<synchronous>, transform_indices = @transform_11, window_bounds = array<i64: 1, 128>}, {pipeline_mode = #tpu.pipeline_mode<synchronous>, transform_indices = @transform_12, window_bounds = array<i64: 128, 128>}, {pipeline_mode = #tpu.pipeline_mode<synchronous>, transform_indices = @transform_13, window_bounds = array<i64: 1, 128>}, {pipeline_mode = #tpu.pipeline_mode<synchronous>, transform_indices = @transform_14, window_bounds = array<i64: 64, 128>}]} {
    %get3A = arith.constant 0 : index
    %get3A_0 = arith.constant 0 : index
    %get3A_1 = vector.load %arg1[%get3A, %get3A_0] : memref<2000x128xf32, #tpu.memory_space<vmem>>, vector<2000x128xf32>
    %get3A_2 = arith.constant 0 : index
    %get3A_3 = arith.constant 0 : index
    %get3A_4 = vector.load %arg2[%get3A_2, %get3A_3] : memref<2000x128xf32, #tpu.memory_space<vmem>>, vector<2000x128xf32>
    %add3A = arith.addf %get3A_1, %get3A_4 : vector<2000x128xf32>
    %get3A_5 = arith.constant 0 : index
    %get3A_6 = arith.constant 0 : index
    %get3A_7 = vector.load %arg3[%get3A_5, %get3A_6] : memref<2000x128xf32, #tpu.memory_space<vmem>>, vector<2000x128xf32>
    %add3A_8 = arith.addf %add3A, %get3A_7 : vector<2000x128xf32>
    %get3A_9 = arith.constant 0 : index
    %get3A_10 = arith.constant 0 : index
    %get3A_11 = vector.load %arg4[%get3A_9, %get3A_10] : memref<128x128xf32, #tpu.memory_space<vmem>>, vector<128x128xf32>
    %dot_general3A = arith.constant dense<0.000000e+00> : vector<2000x128xf32>
    %dot_general3A_12 = tpu.matmul %add3A_8, %get3A_11, %dot_general3A {dimension_numbers = #tpu.dot_dimension_numbers<[1], [1], [0], [0], [0, 0, 1, 0], [], []>, transpose_lhs_hint = false} : vector<2000x128xf32>, vector<128x128xf32>, vector<2000x128xf32> -> vector<2000x128xf32>
    %get3A_13 = arith.constant 0 : index
    %get3A_14 = arith.constant 0 : index
    %get3A_15 = vector.load %arg5[%get3A_13, %get3A_14] : memref<1x128xf32, #tpu.memory_space<vmem>>, vector<1x128xf32>
    %add3A_16 = vector.broadcast %get3A_15 : vector<1x128xf32> to vector<2000x128xf32>
    %add3A_17 = arith.addf %dot_general3A_12, %add3A_16 : vector<2000x128xf32>
    %max3A = arith.constant 0.000000e+00 : f32
    %max3A_18 = vector.broadcast %max3A : f32 to vector<2000x128xf32>
    %max3A_19 = arith.maximumf %add3A_17, %max3A_18 : vector<2000x128xf32>
    %get3A_20 = arith.constant 0 : index
    %get3A_21 = arith.constant 0 : index
    %get3A_22 = vector.load %arg6[%get3A_20, %get3A_21] : memref<128x128xf32, #tpu.memory_space<vmem>>, vector<128x128xf32>
    %dot_general3A_23 = arith.constant dense<0.000000e+00> : vector<2000x128xf32>
    %dot_general3A_24 = tpu.matmul %max3A_19, %get3A_22, %dot_general3A_23 {dimension_numbers = #tpu.dot_dimension_numbers<[1], [1], [0], [0], [0, 0, 1, 0], [], []>, transpose_lhs_hint = false} : vector<2000x128xf32>, vector<128x128xf32>, vector<2000x128xf32> -> vector<2000x128xf32>
    %get3A_25 = arith.constant 0 : index
    %get3A_26 = arith.constant 0 : index
    %get3A_27 = vector.load %arg7[%get3A_25, %get3A_26] : memref<1x128xf32, #tpu.memory_space<vmem>>, vector<1x128xf32>
    %add3A_28 = vector.broadcast %get3A_27 : vector<1x128xf32> to vector<2000x128xf32>
    %add3A_29 = arith.addf %dot_general3A_24, %add3A_28 : vector<2000x128xf32>
    %max3A_30 = arith.constant 0.000000e+00 : f32
    %max3A_31 = vector.broadcast %max3A_30 : f32 to vector<2000x128xf32>
    %max3A_32 = arith.maximumf %add3A_29, %max3A_31 : vector<2000x128xf32>
    %get3A_33 = arith.constant 0 : index
    %get3A_34 = arith.constant 0 : index
    %get3A_35 = vector.load %arg8[%get3A_33, %get3A_34] : memref<1x128xf32, #tpu.memory_space<vmem>>, vector<1x128xf32>
    %mul3A = vector.broadcast %get3A_35 : vector<1x128xf32> to vector<2000x128xf32>
    %mul3A_36 = arith.mulf %max3A_32, %mul3A : vector<2000x128xf32>
    %get3A_37 = arith.constant 0 : index
    %get3A_38 = arith.constant 0 : index
    %get3A_39 = vector.load %arg9[%get3A_37, %get3A_38] : memref<1x128xf32, #tpu.memory_space<vmem>>, vector<1x128xf32>
    %add3A_40 = vector.broadcast %get3A_39 : vector<1x128xf32> to vector<2000x128xf32>
    %add3A_41 = arith.addf %mul3A_36, %add3A_40 : vector<2000x128xf32>
    %get3A_42 = arith.constant 0 : index
    %get3A_43 = arith.constant 0 : index
    %get3A_44 = arith.constant 0 : index
    %get3A_45 = vector.load %arg10[%get3A_42, %get3A_43, %get3A_44] : memref<1x1x2000xi32, #tpu.memory_space<vmem>>, vector<1x1x2000xi32>
    %get3A_46 = vector.shape_cast %get3A_45 : vector<1x1x2000xi32> to vector<2000xi32>
    %iota3A = tpu.iota {dimensions = array<i32: 0>} : vector<64x2000xi32>
    %broadcast_in_dim3A = vector.shape_cast %get3A_46 : vector<2000xi32> to vector<1x2000xi32>
    %eq3A = vector.broadcast %broadcast_in_dim3A : vector<1x2000xi32> to vector<64x2000xi32>
    %eq3A_47 = arith.cmpi eq, %iota3A, %eq3A : vector<64x2000xi32>
    %convert_element_type3A = arith.extui %eq3A_47 : vector<64x2000xi1> to vector<64x2000xi32>
    %convert_element_type3A_48 = arith.sitofp %convert_element_type3A : vector<64x2000xi32> to vector<64x2000xf32>
    %dot_general3A_49 = arith.constant dense<0.000000e+00> : vector<64x128xf32>
    %dot_general3A_50 = tpu.matmul %convert_element_type3A_48, %add3A_41, %dot_general3A_49 {dimension_numbers = #tpu.dot_dimension_numbers<[1], [0], [0], [1], [0, 0, 1, 1], [], []>, transpose_lhs_hint = false} : vector<64x2000xf32>, vector<2000x128xf32>, vector<64x128xf32> -> vector<64x128xf32>
    %broadcast_in_dim3A_51 = arith.constant 1.000000e+00 : f32
    %broadcast_in_dim3A_52 = vector.broadcast %broadcast_in_dim3A_51 : f32 to vector<2000x128xf32>
    %dot_general3A_53 = arith.constant dense<0.000000e+00> : vector<64x128xf32>
    %dot_general3A_54 = tpu.matmul %convert_element_type3A_48, %broadcast_in_dim3A_52, %dot_general3A_53 {dimension_numbers = #tpu.dot_dimension_numbers<[1], [0], [0], [1], [0, 0, 1, 1], [], []>, transpose_lhs_hint = false} : vector<64x2000xf32>, vector<2000x128xf32>, vector<64x128xf32> -> vector<64x128xf32>
    %eq3A_55 = arith.constant 0 : i32
    %eq3A_56 = arith.cmpi eq, %arg0, %eq3A_55 : i32
    %convert_element_type3A_57 = arith.extui %eq3A_56 : i1 to i32
    %cond3A = arith.constant 0 : i32
    %cond3A_58 = arith.cmpi ne, %convert_element_type3A_57, %cond3A : i32
    scf.if %cond3A_58 {
      %swap3A = arith.constant 0 : index
      %swap3A_68 = arith.constant 0 : index
      %swap3A_69 = vector.load %arg16[%swap3A, %swap3A_68] : memref<64x128xf32, #tpu.memory_space<vmem>>, vector<64x128xf32>
      tpu.vector_store %arg16[%swap3A, %swap3A_68], %dot_general3A_50 {strides = array<i32>} : memref<64x128xf32, #tpu.memory_space<vmem>>, vector<64x128xf32>,
      %swap3A_70 = arith.constant 0 : index
      %swap3A_71 = arith.constant 0 : index
      %swap3A_72 = vector.load %arg17[%swap3A_70, %swap3A_71] : memref<64x128xf32, #tpu.memory_space<vmem>>, vector<64x128xf32>
      tpu.vector_store %arg17[%swap3A_70, %swap3A_71], %dot_general3A_54 {strides = array<i32>} : memref<64x128xf32, #tpu.memory_space<vmem>>, vector<64x128xf32>,
    } else {
    }
    %gt3A = arith.constant 0 : i32
    %gt3A_59 = arith.cmpi sgt, %arg0, %gt3A : i32
    %convert_element_type3A_60 = arith.extui %gt3A_59 : i1 to i32
    %cond3A_61 = arith.constant 0 : i32
    %cond3A_62 = arith.cmpi ne, %convert_element_type3A_60, %cond3A_61 : i32
    scf.if %cond3A_62 {
      %get3A_68 = arith.constant 0 : index
      %get3A_69 = arith.constant 0 : index
      %get3A_70 = vector.load %arg16[%get3A_68, %get3A_69] : memref<64x128xf32, #tpu.memory_space<vmem>>, vector<64x128xf32>
      %add3A_71 = arith.addf %get3A_70, %dot_general3A_50 : vector<64x128xf32>
      %swap3A = arith.constant 0 : index
      %swap3A_72 = arith.constant 0 : index
      %swap3A_73 = vector.load %arg16[%swap3A, %swap3A_72] : memref<64x128xf32, #tpu.memory_space<vmem>>, vector<64x128xf32>
      tpu.vector_store %arg16[%swap3A, %swap3A_72], %add3A_71 {strides = array<i32>} : memref<64x128xf32, #tpu.memory_space<vmem>>, vector<64x128xf32>,
      %get3A_74 = arith.constant 0 : index
      %get3A_75 = arith.constant 0 : index
      %get3A_76 = vector.load %arg17[%get3A_74, %get3A_75] : memref<64x128xf32, #tpu.memory_space<vmem>>, vector<64x128xf32>
      %add3A_77 = arith.addf %get3A_76, %dot_general3A_54 : vector<64x128xf32>
      %swap3A_78 = arith.constant 0 : index
      %swap3A_79 = arith.constant 0 : index
      %swap3A_80 = vector.load %arg17[%swap3A_78, %swap3A_79] : memref<64x128xf32, #tpu.memory_space<vmem>>, vector<64x128xf32>
      tpu.vector_store %arg17[%swap3A_78, %swap3A_79], %add3A_77 {strides = array<i32>} : memref<64x128xf32, #tpu.memory_space<vmem>>, vector<64x128xf32>,
    } else {
    }
    %eq3A_63 = arith.constant 4 : i32
    %eq3A_64 = arith.cmpi eq, %arg0, %eq3A_63 : i32
    %convert_element_type3A_65 = arith.extui %eq3A_64 : i1 to i32
    %cond3A_66 = arith.constant 0 : i32
    %cond3A_67 = arith.cmpi ne, %convert_element_type3A_65, %cond3A_66 : i32
    scf.if %cond3A_67 {
      %get3A_68 = arith.constant 0 : index
      %get3A_69 = arith.constant 0 : index
      %get3A_70 = vector.load %arg16[%get3A_68, %get3A_69] : memref<64x128xf32, #tpu.memory_space<vmem>>, vector<64x128xf32>
      %get3A_71 = arith.constant 0 : index
      %get3A_72 = arith.constant 0 : index
      %get3A_73 = vector.load %arg17[%get3A_71, %get3A_72] : memref<64x128xf32, #tpu.memory_space<vmem>>, vector<64x128xf32>
      %max3A_74 = arith.constant 1.000000e+00 : f32
      %max3A_75 = vector.broadcast %max3A_74 : f32 to vector<64x128xf32>
      %max3A_76 = arith.maximumf %get3A_73, %max3A_75 : vector<64x128xf32>
      %div3A = arith.divf %get3A_70, %max3A_76 : vector<64x128xf32>
      %get3A_77 = arith.constant 0 : index
      %get3A_78 = arith.constant 0 : index
      %get3A_79 = vector.load %arg11[%get3A_77, %get3A_78] : memref<128x128xf32, #tpu.memory_space<vmem>>, vector<128x128xf32>
      %dot_general3A_80 = arith.constant dense<0.000000e+00> : vector<64x128xf32>
      %dot_general3A_81 = tpu.matmul %div3A, %get3A_79, %dot_general3A_80 {dimension_numbers = #tpu.dot_dimension_numbers<[1], [1], [0], [0], [0, 0, 1, 0], [], []>, transpose_lhs_hint = false} : vector<64x128xf32>, vector<128x128xf32>, vector<64x128xf32> -> vector<64x128xf32>
      %get3A_82 = arith.constant 0 : index
      %get3A_83 = arith.constant 0 : index
      %get3A_84 = vector.load %arg12[%get3A_82, %get3A_83] : memref<1x128xf32, #tpu.memory_space<vmem>>, vector<1x128xf32>
      %add3A_85 = vector.broadcast %get3A_84 : vector<1x128xf32> to vector<64x128xf32>
      %add3A_86 = arith.addf %dot_general3A_81, %add3A_85 : vector<64x128xf32>
      %max3A_87 = arith.constant 0.000000e+00 : f32
      %max3A_88 = vector.broadcast %max3A_87 : f32 to vector<64x128xf32>
      %max3A_89 = arith.maximumf %add3A_86, %max3A_88 : vector<64x128xf32>
      %get3A_90 = arith.constant 0 : index
      %get3A_91 = arith.constant 0 : index
      %get3A_92 = vector.load %arg13[%get3A_90, %get3A_91] : memref<128x128xf32, #tpu.memory_space<vmem>>, vector<128x128xf32>
      %dot_general3A_93 = arith.constant dense<0.000000e+00> : vector<64x128xf32>
      %dot_general3A_94 = tpu.matmul %max3A_89, %get3A_92, %dot_general3A_93 {dimension_numbers = #tpu.dot_dimension_numbers<[1], [1], [0], [0], [0, 0, 1, 0], [], []>, transpose_lhs_hint = false} : vector<64x128xf32>, vector<128x128xf32>, vector<64x128xf32> -> vector<64x128xf32>
      %get3A_95 = arith.constant 0 : index
      %get3A_96 = arith.constant 0 : index
      %get3A_97 = vector.load %arg14[%get3A_95, %get3A_96] : memref<1x128xf32, #tpu.memory_space<vmem>>, vector<1x128xf32>
      %add3A_98 = vector.broadcast %get3A_97 : vector<1x128xf32> to vector<64x128xf32>
      %add3A_99 = arith.addf %dot_general3A_94, %add3A_98 : vector<64x128xf32>
      %reduce_max3A = arith.constant dense<0xFF800000> : vector<64xf32>
      %reduce_max3A_100 = vector.multi_reduction <maximumf>, %add3A_99, %reduce_max3A [1] : vector<64x128xf32> to vector<64xf32>
      %broadcast_in_dim3A_101 = vector.shape_cast %reduce_max3A_100 : vector<64xf32> to vector<64x1xf32>
      %sub3A = vector.broadcast %broadcast_in_dim3A_101 : vector<64x1xf32> to vector<64x128xf32>
      %sub3A_102 = arith.subf %add3A_99, %sub3A : vector<64x128xf32>
      %exp3A = math.exp %sub3A_102 : vector<64x128xf32>
      %reduce_sum3A = arith.constant dense<0.000000e+00> : vector<64xf32>
      %reduce_sum3A_103 = vector.multi_reduction <add>, %exp3A, %reduce_sum3A [1] : vector<64x128xf32> to vector<64xf32>
      %broadcast_in_dim3A_104 = vector.shape_cast %reduce_sum3A_103 : vector<64xf32> to vector<64x1xf32>
      %log3A = math.log %broadcast_in_dim3A_104 : vector<64x1xf32>
      %sub3A_105 = vector.broadcast %broadcast_in_dim3A_101 : vector<64x1xf32> to vector<64x128xf32>
      %sub3A_106 = arith.subf %add3A_99, %sub3A_105 : vector<64x128xf32>
      %sub3A_107 = vector.broadcast %log3A : vector<64x1xf32> to vector<64x128xf32>
      %sub3A_108 = arith.subf %sub3A_106, %sub3A_107 : vector<64x128xf32>
      %swap3A = arith.constant 0 : index
      %swap3A_109 = arith.constant 0 : index
      %swap3A_110 = vector.load %arg15[%swap3A, %swap3A_109] : memref<64x128xf32, #tpu.memory_space<vmem>>, vector<64x128xf32>
      tpu.vector_store %arg15[%swap3A, %swap3A_109], %sub3A_108 {strides = array<i32>} : memref<64x128xf32, #tpu.memory_space<vmem>>, vector<64x128xf32>,
    } else {
    }
    return
  }
  func.func @transform_0(%arg0: i32) -> (i32, i32) {
    %c0_i32 = arith.constant 0 : i32
    %c0_i32_0 = arith.constant 0 : i32
    return %arg0, %c0_i32 : i32, i32
  }
  func.func @transform_1(%arg0: i32) -> (i32, i32) {
    %c0_i32 = arith.constant 0 : i32
    %c0_i32_0 = arith.constant 0 : i32
    return %arg0, %c0_i32 : i32, i32
  }
  func.func @transform_2(%arg0: i32) -> (i32, i32) {
    %add3A = arith.constant 5 : i32
    %add3A_0 = arith.addi %arg0, %add3A : i32
    %c0_i32 = arith.constant 0 : i32
    %c0_i32_1 = arith.constant 0 : i32
    return %add3A_0, %c0_i32 : i32, i32
  }
  func.func @transform_3(%arg0: i32) -> (i32, i32) {
    %c0_i32 = arith.constant 0 : i32
    %c0_i32_0 = arith.constant 0 : i32
    %c0_i32_1 = arith.constant 0 : i32
    return %c0_i32, %c0_i32_0 : i32, i32
  }
  func.func @transform_4(%arg0: i32) -> (i32, i32) {
    %c0_i32 = arith.constant 0 : i32
    %c0_i32_0 = arith.constant 0 : i32
    %c0_i32_1 = arith.constant 0 : i32
    return %c0_i32, %c0_i32_0 : i32, i32
  }
  func.func @transform_5(%arg0: i32) -> (i32, i32) {
    %c0_i32 = arith.constant 0 : i32
    %c0_i32_0 = arith.constant 0 : i32
    %c0_i32_1 = arith.constant 0 : i32
    return %c0_i32, %c0_i32_0 : i32, i32
  }
  func.func @transform_6(%arg0: i32) -> (i32, i32) {
    %c0_i32 = arith.constant 0 : i32
    %c0_i32_0 = arith.constant 0 : i32
    %c0_i32_1 = arith.constant 0 : i32
    return %c0_i32, %c0_i32_0 : i32, i32
  }
  func.func @transform_7(%arg0: i32) -> (i32, i32) {
    %c0_i32 = arith.constant 0 : i32
    %c0_i32_0 = arith.constant 0 : i32
    %c0_i32_1 = arith.constant 0 : i32
    return %c0_i32, %c0_i32_0 : i32, i32
  }
  func.func @transform_8(%arg0: i32) -> (i32, i32) {
    %c0_i32 = arith.constant 0 : i32
    %c0_i32_0 = arith.constant 0 : i32
    %c0_i32_1 = arith.constant 0 : i32
    return %c0_i32, %c0_i32_0 : i32, i32
  }
  func.func @transform_9(%arg0: i32) -> (i32, i32, i32) {
    %c0_i32 = arith.constant 0 : i32
    %c0_i32_0 = arith.constant 0 : i32
    %c0_i32_1 = arith.constant 0 : i32
    return %arg0, %c0_i32, %c0_i32_0 : i32, i32, i32
  }
  func.func @transform_10(%arg0: i32) -> (i32, i32) {
    %c0_i32 = arith.constant 0 : i32
    %c0_i32_0 = arith.constant 0 : i32
    %c0_i32_1 = arith.constant 0 : i32
    return %c0_i32, %c0_i32_0 : i32, i32
  }
  func.func @transform_11(%arg0: i32) -> (i32, i32) {
    %c0_i32 = arith.constant 0 : i32
    %c0_i32_0 = arith.constant 0 : i32
    %c0_i32_1 = arith.constant 0 : i32
    return %c0_i32, %c0_i32_0 : i32, i32
  }
  func.func @transform_12(%arg0: i32) -> (i32, i32) {
    %c0_i32 = arith.constant 0 : i32
    %c0_i32_0 = arith.constant 0 : i32
    %c0_i32_1 = arith.constant 0 : i32
    return %c0_i32, %c0_i32_0 : i32, i32
  }
  func.func @transform_13(%arg0: i32) -> (i32, i32) {
    %c0_i32 = arith.constant 0 : i32
    %c0_i32_0 = arith.constant 0 : i32
    %c0_i32_1 = arith.constant 0 : i32
    return %c0_i32, %c0_i32_0 : i32, i32
  }
  func.func @transform_14(%arg0: i32) -> (i32, i32) {
    %c0_i32 = arith.constant 0 : i32
    %c0_i32_0 = arith.constant 0 : i32
    %c0_i32_1 = arith.constant 0 : i32
    return %c0_i32, %c0_i32_0 : i32, i32
  }
}

</mosaic_0001>

<sc_bundles>
// kernel: kernel.6.cloned.1.call-start
scs
__scs_entry_jumppad:
0x0: {  	(pc) =	sbr.rel $0x88, $3  }
0x1: {  	(tag) =	ssettag $0x0;
	lr =	simm.s32 $0x1  }
0x2: {  	[smem:$0x3F8E] =	sst lr;
	_ =	strace $0xD0000000  }
0x3: {  	_ = 	snop  }
0x4: {  	_ = 	snop  }
0x5: {  	_ = 	snop  }
0x6: {  	_ = 	snop  }
0x7: {  	_ = 	snop  }
__scs_overlays_trampoline_lowered:
0x8: {  	[smem:$0x3F9D] =	sst s0  }
0x9: {  	[smem:$0x3F9E] =	sst s1  }
0xa: {  	[smem:$0x3F9F] =	sst s2  }
0xb: {  	[smem:$0x3FA0] =	sst s3  }
0xc: {  	[smem:$0x3FA1] =	sst s4  }
0xd: {  	[smem:$0x3FA2] =	sst s5  }
0xe: {  	[smem:$0x3FA3] =	sst s6  }
0xf: {  	[smem:$0x3FA4] =	sst s7  }
0x10: {  	[smem:$0x3FA5] =	sst s8  }
0x11: {  	[smem:$0x3FA6] =	sst s9;
	s0 =	simm.s32 @!p0 $0x0  }
0x12: {  	s1 =	sld [smem:$0x3F8C];
	s0 =	simm.s32 @p0 $0x1  }
0x13: {  	[smem:$0x3FA7] =	sst s0;
	s0 =	simm.s32 @!p1 $0x0  }
0x14: {  	s2 =	sld [smem:$0x3F8B];
	s0 =	simm.s32 @p1 $0x1  }
0x15: {  	[smem:$0x3FA8] =	sst s0;
	s0 =	simm.s32 @!p2 $0x0  }
0x16: {  	s3 =	sld [smem:$0x3FDB];
	s0 =	simm.s32 @p2 $0x1  }
0x17: {  	s4 =	simm.s32 $0x1BF5;
	[smem:$0x3FAA] =	sst s0  }
0x18: {  	s0 =	sld [smem:$0x3F8D];
	_ =	swait.ge [sflag:s4], $0x0  }
0x19: {  	s7 =	sld [smem:$0x3F8E]  }
0x1a: {  	s8 =	sadd.s32 $0xFFFFE003, lr  }
0x1b: {  	s9 =	sadd.s32 $0xFFFFFEF7, lr;
	s5 =	simm.s32 $0xFFFFFFFF;
	p2 =	slt.u32 s8, $0xFFFFF086  }
0x1c: {  	p1 =	slt.u32 s9, $0xF7A;
	s5 =	simm.s32 @!p2 $0x0  }
0x1d: {  	s5 =	simm.s32 @p1 $0x1;
	p0 =	seq.s32 s7, s2  }
0x1e: {  	s7 =	smul.u32 @!p0 $0xF7A, s2;
	p2 =	seq.s32 @!p0 s5, $0x0  }
0x1f: {  	s9 =	smul.u32 $0xF7A, s1;
	s8 =	simm.s32 @!p0 $0x1BF5;
	p2 =	por !p2, p0  }
0x20: {  	[sflag:s8] =	ssyncset.s32 @!p0 $0xFFFFF086;
	s6 =	sadd.s32 @!p0 s3, s7;
	s7 =	simm.s32 @!p0 $0x108  }
0x21: {  	s3 =	sadd.s32 s3, s9;
	s6 =	sadd.s32 @!p0 $0x88, s6;
	s7 =	simm.s32 @p2 $0x1082  }
0x22: {  	[simem:s7], [sflag:s8] =	dma.local @!p0 [hbm:s6], $0xF7A  }
0x23: {  	s9 =	sor.u32 $0xD0000000, s2;
	s6 =	simm.s32 $0x108;
	_ =	swait.ge @!p0 [sflag:s8], $0x0  }
0x24: {  	s3 =	sadd.s32 $0x88, s3;
	s6 =	simm.s32 @!p1 $0x1082;
	[sflag:s4] =	ssyncset.s32 $0xFFFFF086  }
0x25: {  	[simem:s6], [sflag:s4] =	dma.local [hbm:s3], $0xF7A  }
0x26: {  	[smem:$0x3F8E] =	sst s1;
	(tag) =	ssettag s2;
	_ =	strace s9  }
0x27: {  	s1 =	sld [smem:$0x3F9E]  }
0x28: {  	s2 =	sld [smem:$0x3F9F]  }
0x29: {  	s4 =	sld [smem:$0x3FA1]  }
0x2a: {  	p0 =	seq.s32 s5, $0x0;
	s5 =	sld [smem:$0x3FA2]  }
0x2b: {  	s6 =	sld [smem:$0x3FA3]  }
0x2c: {  	s7 =	sld [smem:$0x3FA4]  }
0x2d: {  	s3 =	simm.s32 $0x108;
	s8 =	sld [smem:$0x3FA5]  }
0x2e: {  	s3 =	simm.s32 @!p0 $0x1082;
	s9 =	sld [smem:$0x3FA6]  }
0x2f: {  	lr =	sadd.s32 s0, s3;
	s0 =	sld [smem:$0x3F9D]  }
0x30: {  	s3 =	sld [smem:$0x3FA0]  }
0x31: {  	[smem:$0x3FA9] =	sst s10  }
0x32: {  	s10 =	sld [smem:$0x3FA7];
	_ =	sdelay $0x3  }
0x33: {  	p0 =	seq.s32 s10, $0x1;
	s10 =	sld [smem:$0x3FA9];
	_ =	sdelay $0x3  }
0x34: {  	[smem:$0x3FA9] =	sst s10  }
0x35: {  	s10 =	sld [smem:$0x3FA8];
	_ =	sdelay $0x3  }
0x36: {  	p1 =	seq.s32 s10, $0x1;
	s10 =	sld [smem:$0x3FA9];
	_ =	sdelay $0x3  }
0x37: {  	[smem:$0x3FA9] =	sst s10  }
0x38: {  	s10 =	sld [smem:$0x3FAA]  }
0x39: {  	_ = 	snop;
	(pc) =	sbr.ind lr, $3  }
0x3a: {  	_ = 	snop  }
0x3b: {  	_ = 	snop  }
0x3c: {  	p2 =	seq.s32 s10, $0x1;
	s10 =	sld [smem:$0x3FA9]  }
0x3d: {  	_ =	shalt  }
0x3e: {  	_ =	shalt  }
0x3f: {  	_ =	shalt  }
0x40: {  	_ =	shalt  }
0x41: {  	_ =	shalt  }
0x42: {  	_ =	shalt  }
0x43: {  	_ =	shalt  }
0x44: {  	_ =	shalt  }
0x45: {  	_ =	shalt  }
0x46: {  	_ =	shalt  }
0x47: {  	_ =	shalt  }
0x48: {  	_ =	shalt  }
0x49: {  	_ =	shalt  }
0x4a: {  	_ =	shalt  }
0x4b: {  	_ =	shalt  }
0x4c: {  	_ =	shalt  }
0x4d: {  	_ =	shalt  }
0x4e: {  	_ =	shalt  }
0x4f: {  	_ =	shalt  }
0x50: {  	_ =	shalt  }
0x51: {  	_ =	shalt  }
0x52: {  	_ =	shalt  }
0x53: {  	_ =	shalt  }
0x54: {  	_ =	shalt  }
0x55: {  	_ =	shalt  }
0x56: {  	_ =	shalt  }
0x57: {  	_ =	shalt  }
0x58: {  	_ =	shalt  }
0x59: {  	_ =	shalt  }
0x5a: {  	_ =	shalt  }
0x5b: {  	_ =	shalt  }
0x5c: {  	_ =	shalt  }
0x5d: {  	_ =	shalt  }
0x5e: {  	_ =	shalt  }
0x5f: {  	_ =	shalt  }
0x60: {  	_ =	shalt  }
0x61: {  	_ =	shalt  }
0x62: {  	_ =	shalt  }
0x63: {  	_ =	shalt  }
0x64: {  	_ =	shalt  }
0x65: {  	_ =	shalt  }
0x66: {  	_ =	shalt  }
0x67: {  	_ =	shalt  }
0x68: {  	_ =	shalt  }
0x69: {  	_ =	shalt  }
0x6a: {  	_ =	shalt  }
0x6b: {  	_ =	shalt  }
0x6c: {  	_ =	shalt  }
0x6d: {  	_ =	shalt  }
0x6e: {  	_ =	shalt  }
0x6f: {  	_ =	shalt  }
0x70: {  	_ =	shalt  }
0x71: {  	_ =	shalt  }
0x72: {  	_ =	shalt  }
0x73: {  	_ =	shalt  }
0x74: {  	_ =	shalt  }
0x75: {  	_ =	shalt  }
0x76: {  	_ =	shalt  }
0x77: {  	_ =	shalt  }
0x78: {  	_ =	shalt  }
0x79: {  	_ =	shalt  }
0x7a: {  	_ =	shalt  }
0x7b: {  	_ =	shalt  }
0x7c: {  	_ =	shalt  }
0x7d: {  	_ =	shalt  }
0x7e: {  	_ =	shalt  }
0x7f: {  	_ =	shalt  }
0x80: {  	_ =	shalt  }
0x81: {  	_ =	shalt  }
0x82: {  	_ =	shalt  }
0x83: {  	_ =	shalt  }
0x84: {  	_ =	shalt  }
0x85: {  	_ =	shalt  }
0x86: {  	_ =	shalt  }
0x87: {  	_ =	shalt  }
.Lfunc_end0:
.L_simem_size_0:
called_computation_lowered:
.L_overlay_start_0:
0x88: {  	s2 =	sld [smem:$0x3FD9]  }
0x89: {  	s3 =	sld [smem:$0x3FFE];
	_ =	sdelay $0x1  }
0x8a: {  	s1 =	srdreg.scid  }
0x8b: {  	s0 =	sand.u32 $0x1, s1  }
0x8c: {  	s17 =	sshll.u32 s0, $0xA;
	s2 =	sadd.s32 s3, s2  }
0x8d: {  	s2 =	sadd.s32 s2, s17  }
0x8e: {  	[smem:$0x3FB5] =	sst s2  }
0x8f: {  	_ = 	snop  }
0x90: {  	s2 =	sld [smem:$0x3FC9];
	(tm) =	ssettm $0x1  }
0x91: {  	s18 =	sld [smem:$0x3FFB];
	_ =	sdelay $0x3  }
0x92: {  	_ =	strace s18  }
0x93: {  	s3 =	sld [smem:$0x3FFC];
	_ =	sdelay $0x3  }
0x94: {  	_ =	strace s3  }
0x95: {  	s3 =	sld [smem:$0x3FFD];
	_ =	sdelay $0x3  }
0x96: {  	_ =	strace s3  }
0x97: {  	_ =	strace $0x8FFFFFFF  }
0x98: {  	s19 =	sld [smem:$0x3FDB];
	_ =	sdelay $0x1  }
0x99: {  	s4 =	simm.s32 $_scs_section_size  }
0x9a: {  	s5 =	simm.s32 $_size__tile_overlayer_lowered;
	s6 =	simm.s32 $_tile_overlayer_lowered  }
0x9b: {  	s22 =	simm.s32 $0x1BFF;
	s21 =	sshll.u32 s6, $0x1;
	s3 =	sadd.s32 s4, s19  }
0x9c: {  	s7 =	simm.s32 $0x0;
	s20 =	sshll.u32 s5, $0x1;
	s5 =	sadd.s32 s21, s3  }
0x9d: {  	[timem:s7], [sflag:s22] =	dma.local [hbm:s5], s20  }
0x9e: {  	_ =	swait.ge [sflag:s22], s20  }
0x9f: {  	s4 =	ssub.s32 $0x0, s20;
	[sflag:s22] =	ssyncset.done $0x0  }
0xa0: {  	[sflag:s22] =	ssyncadd.s32 s4;
	_ =	sdelay $0x1  }
0xa1: {  	s23 =	simm.s32 $0x1B8B  }
0xa2: {  	_ =	swait.ge [sflag:s23], $0x1  }
0xa3: {  	[sflag:s23] =	ssyncset.done $0x0  }
0xa4: {  	s25 =	simm.s32 $0x1B8E;
	s24 =	sld [smem:$0x3FFE];
	[sflag:s23] =	ssyncadd.s32 $0xFFFFFFFF  }
0xa5: {  	s26 =	simm.s32 $execute0_lowered;
	[smem:$0x3FD2] =	sst s25  }
0xa6: {  	s5 =	sshll.u32 s26, $0x1;
	_ =	strace $0x80000046;
	[dreg:$0x1] =	wrdreg $0xFFFFFFFF  }
0xa7: {  	s28 =	simm.s32 $_size_execute0_lowered;
	s3 =	sadd.s32 s3, s5;
	[dreg:$0x0] =	wrdreg $0x0  }
0xa8: {  	s5 =	sshll.u32 s28, $0x1;
	[dreg:$0x2] =	wrdreg s3  }
0xa9: {  	[dreg:$0x3] =	wrdreg s5  }
0xaa: {  	[dreg:$0x4] =	wrdreg $0xC0  }
0xab: {  	_ =	task [dreg:s7], $0x5FFFF  }
0xac: {  	[dreg:$0x1] =	wrdreg $0xFFFFFFFF  }
0xad: {  	[dreg:$0x0] =	wrdreg $0x60  }
0xae: {  	[dreg:$0x2] =	wrdreg s2  }
0xaf: {  	[dreg:$0x3] =	wrdreg s24  }
0xb0: {  	[dreg:$0x4] =	wrdreg $0xA3800  }
0xb1: {  	[dreg:$0x5] =	wrdreg $0x9  }
0xb2: {  	_ =	task.clear_ibuf [dreg:s7], $0x6FFFF;
	_ =	strace $0x90000046  }
0xb3: {  	s29 =	simm.s32 $0x9;
	_ =	strace $0x80000048  }
0xb4: {  	_ =	swait.ge [sflag:s29], $0x1  }
0xb5: {  	[sflag:s29] =	ssyncadd.s32 $0xFFFFFFFF  }
0xb6: {  	_ =	strace $0x90000048  }
0xb7: {  	_ =	sfence  }
0xb8: {  	s30 =	sld [smem:$0x0];
	_ =	sdelay $0x2  }
0xb9: {  	s31 =	sshll.u32 s1, $0xD;
	s1 =	sshrl.u32 s1, $0x2  }
0xba: {  	s3 =	sand.u32 $0x4000, s31;
	s1 =	sadd.s32 s1, s30  }
0xbb: {  	s0 =	sor.u32 s3, s0;
	s1 =	sshll.u32 s1, $0x11  }
0xbc: {  	s0 =	sor.u32 s1, s0  }
0xbd: {  	s0 =	sadd.s32 $0x8F2B, s0  }
0xbe: {  	[sflag:s0] =	ssyncadd.remote.s32 $0x1  }
0xbf: {  	_ =	sfence.sel $0xFFFF  }
0xc0: {  	[dreg:$0x0] =	wrdreg $0xFFFFFFFF;
	(pc) =	sbr.abs _section_cstart, $3  }
0xc1: {  	[dreg:$0x1] =	wrdreg $0xFFFFFFFF  }
0xc2: {  	_ =	task.clear_ibuf [dreg:s7], $0x2FFFF;
	_ =	strace $0x9FFFFFFF  }
0xc3: {  	(tm) =	ssettm $0x7FFFFFFF  }
tec
execute0_lowered:
.L_overlay_start_1:
0x0: {  	(tag) =	ssettag $0x1  }
0x1: {  	s0 =	srdreg.scid;
	s1 =	rddreg [dreg:$0x0]  }
0x2: {  	s12 =	stileid.u32;
	s6 =	rddreg [dreg:$0x1]  }
0x3: {  	s3 =	rddreg [dreg:$0x2];
	s4 =	simm.s32 $0x0;
	s5 =	smul.u32 $0x2700, s12  }
0x4: {  	s28 =	simm.s32 $0x7B80;
	s29 =	simm.s32 $0x2B80;
	s11 =	smul.u32 $0x4E000, s12  }
0x5: {  	s30 =	simm.s32 $0x4;
	s0 =	sand.u32 $0x1, s0;
	s20 =	smul.u32 $0x4E20, s12  }
0x6: {  	s2 =	sshll.u32 s12, $0x1;
	[smem:$0x7FF] =	sst s4;
	s7 =	smul.u32 $0x27100, s0  }
0x7: {  	s2 =	sor.u32 s0, s2;
	s9 =	ssub.s32 $0x2, s0;
	s0 =	smul.u32 $0x2710, s0  }
0x8: {  	s31 =	simm.s32 $0x2780;
	_ =	strace $0x80000047;
	s2 =	smul.u32 $0x2710, s2  }
0x9: {  	s10 =	sshrl.u32 s9, $0x1;
	s19 =	sshrl.u32 s11, $0x2;
	s7 =	sadd.s32 s5, s7  }
0xa: {  	s5 =	sadd.s32 $0x3200, s6;
	s14 =	ssub.s32 s9, s10;
	s9 =	sadd.s32 s19, s3  }
0xb: {  	s0 =	sadd.s32 s0, s20;
	s2 =	sshrl.u32 s2, $0x3;
	s21 =	sadd.s32 $0x2800, s9  }
0xc: {  	s22 =	sadd.s32 $0x5000, s9;
	s23 =	sadd.s32 $0x7800, s9;
	s24 =	sadd.s32 $0xA000, s9  }
0xd: {  	s25 =	sadd.s32 $0xC800, s9;
	s15 =	sadd.s32 $0xF000, s9;
	[dreg:$0x7] =	wrdreg s21  }
0xe: {  	s16 =	sadd.s32 $0x11800, s9;
	s26 =	sadd.s32 $0xA0, s0;
	[dreg:$0x8] =	wrdreg s22  }
0xf: {  	s20 =	sadd.s32 $0xF0, s0;
	s8 =	sadd.s32 s2, s6;
	[dreg:$0x9] =	wrdreg s23  }
0x10: {  	s6 =	sadd.s32 s7, s6;
	s18 =	sadd.s32 s5, s2;
	[dreg:$0xa] =	wrdreg s24  }
0x11: {  	[dreg:$0xb] =	wrdreg s25;
	s2 =	sadd.s32 $0x140, s0;
	s22 =	simm.s32 $0x1  }
0x12: {  	s23 =	simm.s32 $0x2800;
	s24 =	simm.s32 $0x50;
	s25 =	simm.s32 $0x5380  }
0x13: {  	s0 =	simm.s32 $0x3;
	s8 =	sadd.s32 $0xD000, s8;
	[dreg:$0x5] =	wrdreg s18  }
0x14: {  	s17 =	sadd.s32 $0x16E00, s6;
	s2 =	sshrl.u32 s2, $0x3;
	s6 =	sshrl.u32 s26, $0x3  }
0x15: {  	s26 =	simm.s32 $0x2880;
	[dreg:$0x4] =	wrdreg s8;
	s8 =	sadd.s32 $0xA, s18  }
0x16: {  	s18 =	smax.u32 s14, $0x1;
	s19 =	sadd.s32 s2, s5;
	s21 =	sadd.s32 s6, s5  }
0x17: {  	v0 =	vimm.f32 $0.0e+00;
	s2 =	simm.s32 $0x2;
	s6 =	simm.s32 $0x0;
	[dreg:$0x6] =	wrdreg s8  }
.LBB2_1:
0x18: {  	s7 =	rddreg [dreg:$0x4];
	s14 =	sand.u32 $0xFE00, s4  }
0x19: {  	[tilespmem:s4], [sflag:$0x1] =	stream.linear.gather [hbm4b:s7+s4], $0x2710, $0x38;
	[tilespmem:$0x1DC00] =	vst v63  }
0x1a: {  	s10 =	sand.u32 $0x70, s4;
	s7 =	sshrl.u32 s14, $0x2  }
0x1b: {  	s8 =	simm.s32 $0x40;
	s7 =	sor.u32 s10, s7;
	s10 =	simm.s32 $0x0  }
.LBB2_2:
0x1c: {  	p0 =	sne.s32 s8, $0x9FC0  }
0x1d: {  	[tilespmem:s7+$0x2B80] =	vst v0;
	s10 =	sadd.s32 $0x10, s10;
	s7 =	smov.u32 s8;
	s8 =	sadd.s32 $0x40, s8  }
.Ltmp0:
0x1e: {  	(pc) =	sbr.rel @p0 .LBB2_2-.Ltmp0, $4  }
0x1f: {  	_ = 	snop  }
0x20: {  	s7 =	sand.u32 $0xFE00, s7  }
0x21: {  	s11 =	sand.u32 $0x70, s10;
	s7 =	sshrl.u32 s7, $0x2  }
0x22: {  	s7 =	sor.u32 s11, s7  }
0x23: {  	[tilespmem:s7+$0x2B80] =	vst v0  }
0x24: {  	_ =	swait.ge [sflag:s22], $0x2710  }
0x25: {  	[sflag:s22] =	ssyncset.done $0x0  }
0x26: {  	s10 =	simm.s32 $0x0;
	s8 =	rddreg [dreg:$0x5];
	[sflag:s22] =	ssyncadd.s32 $0xFFFFD8F0  }
0x27: {  	[tilespmem:s23], [sflag:$0x2] =	stream.linear.gather [hbm4b:s8+s10], $0x50, $0x38;
	[tilespmem:$0x1DC00] =	vst v63  }
0x28: {  	_ = 	snop  }
0x29: {  	[tilespmem:s25], [sflag:$0x2] =	stream.indirect.gather [hbm4b:s1+s24], $0x80, s10, s24, $0xb8;
	[tilespmem:$0x1DC00] =	vst v63  }
0x2a: {  	s11 =	rddreg [dreg:$0x6]  }
0x2b: {  	[tilespmem:s26], [sflag:$0x3] =	stream.linear.gather [hbm4b:s11+s10], $0x50, $0x38;
	[tilespmem:$0x1DC00] =	vst v63  }
0x2c: {  	_ = 	snop  }
0x2d: {  	[tilespmem:s28], [sflag:$0x3] =	stream.indirect.gather [hbm4b:s1+s24], $0x80, s24, s24, $0xb8;
	[tilespmem:$0x1DC00] =	vst v63  }
0x2e: {  	_ = 	snop  }
0x2f: {  	[spmem:s9] =	stream.linear.scatter [tilespmem:s29], [sflag:$0x4], $0x2800, $0x38;
	[tilespmem:$0x1DC00] =	vst v63  }
0x30: {  	_ =	swait.ge [sflag:s30], $0x2800  }
0x31: {  	[sflag:s30] =	ssyncset.done $0x0  }
0x32: {  	s12 =	rddreg [dreg:$0x7];
	[sflag:s30] =	ssyncadd.s32 $0xFFFFD800  }
0x33: {  	[spmem:s12] =	stream.linear.scatter [tilespmem:s29], [sflag:$0x4], $0x2800, $0x38;
	[tilespmem:$0x1DC00] =	vst v63  }
0x34: {  	_ =	swait.ge [sflag:s30], $0x2800  }
0x35: {  	[sflag:s30] =	ssyncset.done $0x0  }
0x36: {  	s13 =	rddreg [dreg:$0x8];
	[sflag:s30] =	ssyncadd.s32 $0xFFFFD800  }
0x37: {  	[spmem:s13] =	stream.linear.scatter [tilespmem:s29], [sflag:$0x4], $0x2800, $0x38;
	[tilespmem:$0x1DC00] =	vst v63  }
0x38: {  	_ =	swait.ge [sflag:s30], $0x2800  }
0x39: {  	[sflag:s30] =	ssyncset.done $0x0  }
0x3a: {  	s14 =	rddreg [dreg:$0x9];
	[sflag:s30] =	ssyncadd.s32 $0xFFFFD800  }
0x3b: {  	[spmem:s14] =	stream.linear.scatter [tilespmem:s29], [sflag:$0x4], $0x2800, $0x38;
	[tilespmem:$0x1DC00] =	vst v63  }
0x3c: {  	_ =	swait.ge [sflag:s30], $0x2800  }
0x3d: {  	[sflag:s30] =	ssyncset.done $0x0  }
0x3e: {  	s8 =	rddreg [dreg:$0xa];
	[sflag:s30] =	ssyncadd.s32 $0xFFFFD800  }
0x3f: {  	[spmem:s8] =	stream.linear.scatter [tilespmem:s29], [sflag:$0x4], $0x2800, $0x38;
	[tilespmem:$0x1DC00] =	vst v63  }
0x40: {  	_ =	swait.ge [sflag:s30], $0x2800  }
0x41: {  	[sflag:s30] =	ssyncset.done $0x0  }
0x42: {  	s10 =	rddreg [dreg:$0xb];
	[sflag:s30] =	ssyncadd.s32 $0xFFFFD800  }
0x43: {  	[spmem:s10] =	stream.linear.scatter [tilespmem:s29], [sflag:$0x4], $0x2800, $0x38;
	[tilespmem:$0x1DC00] =	vst v63  }
0x44: {  	_ =	swait.ge [sflag:s30], $0x2800  }
0x45: {  	[sflag:s30] =	ssyncset.done $0x0  }
0x46: {  	[sflag:s30] =	ssyncadd.s32 $0xFFFFD800  }
0x47: {  	[spmem:s15] =	stream.linear.scatter [tilespmem:s29], [sflag:$0x4], $0x2800, $0x38;
	[tilespmem:$0x1DC00] =	vst v63  }
0x48: {  	_ =	swait.ge [sflag:s30], $0x2800  }
0x49: {  	[sflag:s30] =	ssyncset.done $0x0  }
0x4a: {  	[sflag:s30] =	ssyncadd.s32 $0xFFFFD800  }
0x4b: {  	[spmem:s16] =	stream.linear.scatter [tilespmem:s29], [sflag:$0x4], $0x2800, $0x38;
	[tilespmem:$0x1DC00] =	vst v63  }
0x4c: {  	_ =	swait.ge [sflag:s30], $0x2800  }
0x4d: {  	[sflag:s30] =	ssyncset.done $0x0  }
0x4e: {  	[sflag:s30] =	ssyncadd.s32 $0xFFFFD800  }
0x4f: {  	[bflag:$0x0] =	sbarrier.arrive $0xFFFF  }
0x50: {  	[tilespmem:s31], [sflag:$0x1] =	stream.linear.gather [hbm4b:s21+s4], $0x50, $0x38;
	[tilespmem:$0x1DC00] =	vst v63  }
0x51: {  	s11 =	simm.s32 $0xA0  }
0x52: {  	[tilespmem:s29], [sflag:$0x1] =	stream.indirect.gather [hbm4b:s1+s24], $0x80, s11, s24, $0xb8;
	[tilespmem:$0x1DC00] =	vst v63  }
0x53: {  	_ =	swait.ge [sflag:s2], $0x50  }
0x54: {  	[sflag:s2] =	ssyncset.done $0x0  }
0x55: {  	[sflag:s2] =	ssyncadd.s32 $0xFFFFFFB0  }
0x56: {  	_ =	swait.ge [sflag:s2], $0x2800  }
0x57: {  	[sflag:s2] =	ssyncset.done $0x0  }
0x58: {  	[sflag:s2] =	ssyncadd.s32 $0xFFFFD800  }
0x59: {  	[spmem:s3] =	stream.indirect.scatter.add.f32 [tilespmem:s25], [sflag:$0x4], $0x80, s23, s24, $0xb8;
	[tilespmem:$0x1DC00] =	vst v63  }
0x5a: {  	_ =	swait.ge [sflag:s30], $0x2800  }
0x5b: {  	s12 =	sshrl.u32 s20, $0x3;
	[sflag:s30] =	ssyncset.done $0x0  }
0x5c: {  	s7 =	sadd.s32 s5, s12;
	[sflag:s30] =	ssyncadd.s32 $0xFFFFD800  }
0x5d: {  	[tilespmem:s23], [sflag:$0x2] =	stream.linear.gather [hbm4b:s7+s4], $0x50, $0x38;
	[tilespmem:$0x1DC00] =	vst v63  }
0x5e: {  	s13 =	simm.s32 $0xF0  }
0x5f: {  	[tilespmem:s25], [sflag:$0x2] =	stream.indirect.gather [hbm4b:s1+s24], $0x80, s13, s24, $0xb8;
	[tilespmem:$0x1DC00] =	vst v63  }
0x60: {  	_ =	swait.ge [sflag:s0], $0x50  }
0x61: {  	[sflag:s0] =	ssyncset.done $0x0  }
0x62: {  	[sflag:s0] =	ssyncadd.s32 $0xFFFFFFB0  }
0x63: {  	_ =	swait.ge [sflag:s0], $0x2800  }
0x64: {  	[sflag:s0] =	ssyncset.done $0x0  }
0x65: {  	[sflag:s0] =	ssyncadd.s32 $0xFFFFD800  }
0x66: {  	[spmem:s3] =	stream.indirect.scatter.add.f32 [tilespmem:s28], [sflag:$0x4], $0x80, s26, s24, $0xb8;
	[tilespmem:$0x1DC00] =	vst v63  }
0x67: {  	_ =	swait.ge [sflag:s30], $0x2800  }
0x68: {  	[sflag:s30] =	ssyncset.done $0x0  }
0x69: {  	[sflag:s30] =	ssyncadd.s32 $0xFFFFD800  }
0x6a: {  	[tilespmem:s26], [sflag:$0x3] =	stream.linear.gather [hbm4b:s19+s4], $0x50, $0x38;
	[tilespmem:$0x1DC00] =	vst v63  }
0x6b: {  	s14 =	simm.s32 $0x140  }
0x6c: {  	[tilespmem:s28], [sflag:$0x3] =	stream.indirect.gather [hbm4b:s1+s24], $0x80, s14, s24, $0xb8;
	[tilespmem:$0x1DC00] =	vst v63  }
0x6d: {  	_ =	swait.ge [sflag:s22], $0x50  }
0x6e: {  	[sflag:s22] =	ssyncset.done $0x0  }
0x6f: {  	[sflag:s22] =	ssyncadd.s32 $0xFFFFFFB0  }
0x70: {  	_ =	swait.ge [sflag:s22], $0x2800  }
0x71: {  	[sflag:s22] =	ssyncset.done $0x0  }
0x72: {  	[sflag:s22] =	ssyncadd.s32 $0xFFFFD800  }
0x73: {  	[spmem:s3] =	stream.indirect.scatter.add.f32 [tilespmem:s29], [sflag:$0x4], $0x80, s31, s24, $0xb8;
	[tilespmem:$0x1DC00] =	vst v63  }
0x74: {  	s12 =	simm.s32 $0x3C0;
	s8 =	sadd.s32 $0x1E, s21;
	_ =	swait.ge [sflag:s30], $0x2800  }
0x75: {  	s10 =	sadd.s32 $0x1E, s19;
	s11 =	sadd.s32 $0xF0, s20;
	[sflag:s30] =	ssyncset.done $0x0  }
.LBB2_4:
0x76: {  	s7 =	smov.u32 s12  }
0x77: {  	s13 =	sshra.s32 s12, $0x2;
	[sflag:s30] =	ssyncadd.s32 $0xFFFFD800;
	s7 =	sadd.s32 $0x3C0, s12  }
0x78: {  	[tilespmem:s31], [sflag:$0x1] =	stream.linear.gather [hbm4b:s8+s4], $0x50, $0x38;
	[tilespmem:$0x1DC00] =	vst v63  }
0x79: {  	p0 =	sne.s32 s12, $0x9600;
	s14 =	sadd.s32 $0xA0, s13  }
0x7a: {  	[tilespmem:s29], [sflag:$0x1] =	stream.indirect.gather [hbm4b:s1+s24], $0x80, s14, s24, $0xb8;
	[tilespmem:$0x1DC00] =	vst v63  }
0x7b: {  	_ =	swait.ge [sflag:s2], $0x50  }
0x7c: {  	[sflag:s2] =	ssyncset.done $0x0  }
0x7d: {  	[sflag:s2] =	ssyncadd.s32 $0xFFFFFFB0  }
0x7e: {  	_ =	swait.ge [sflag:s2], $0x2800  }
0x7f: {  	[sflag:s2] =	ssyncset.done $0x0  }
0x80: {  	[sflag:s2] =	ssyncadd.s32 $0xFFFFD800  }
0x81: {  	[spmem:s3] =	stream.indirect.scatter.add.f32 [tilespmem:s25], [sflag:$0x4], $0x80, s23, s24, $0xb8;
	[tilespmem:$0x1DC00] =	vst v63  }
0x82: {  	_ =	swait.ge [sflag:s30], $0x2800  }
0x83: {  	s12 =	sshrl.u32 s11, $0x3;
	[sflag:s30] =	ssyncset.done $0x0  }
0x84: {  	s12 =	sadd.s32 s5, s12;
	[sflag:s30] =	ssyncadd.s32 $0xFFFFD800  }
0x85: {  	[tilespmem:s23], [sflag:$0x2] =	stream.linear.gather [hbm4b:s12+s4], $0x50, $0x38;
	[tilespmem:$0x1DC00] =	vst v63  }
0x86: {  	s12 =	sadd.s32 $0xF0, s13  }
0x87: {  	[tilespmem:s25], [sflag:$0x2] =	stream.indirect.gather [hbm4b:s1+s24], $0x80, s12, s24, $0xb8;
	[tilespmem:$0x1DC00] =	vst v63  }
0x88: {  	_ =	swait.ge [sflag:s0], $0x50  }
0x89: {  	[sflag:s0] =	ssyncset.done $0x0  }
0x8a: {  	[sflag:s0] =	ssyncadd.s32 $0xFFFFFFB0  }
0x8b: {  	_ =	swait.ge [sflag:s0], $0x2800  }
0x8c: {  	[sflag:s0] =	ssyncset.done $0x0  }
0x8d: {  	[sflag:s0] =	ssyncadd.s32 $0xFFFFD800  }
0x8e: {  	[spmem:s3] =	stream.indirect.scatter.add.f32 [tilespmem:s28], [sflag:$0x4], $0x80, s26, s24, $0xb8;
	[tilespmem:$0x1DC00] =	vst v63  }
0x8f: {  	_ =	swait.ge [sflag:s30], $0x2800  }
0x90: {  	[sflag:s30] =	ssyncset.done $0x0  }
0x91: {  	[sflag:s30] =	ssyncadd.s32 $0xFFFFD800  }
0x92: {  	[tilespmem:s26], [sflag:$0x3] =	stream.linear.gather [hbm4b:s10+s4], $0x50, $0x38;
	[tilespmem:$0x1DC00] =	vst v63  }
0x93: {  	s12 =	sadd.s32 $0x140, s13  }
0x94: {  	[tilespmem:s28], [sflag:$0x3] =	stream.indirect.gather [hbm4b:s1+s24], $0x80, s12, s24, $0xb8;
	[tilespmem:$0x1DC00] =	vst v63  }
0x95: {  	_ =	swait.ge [sflag:s22], $0x50  }
0x96: {  	[sflag:s22] =	ssyncset.done $0x0  }
0x97: {  	[sflag:s22] =	ssyncadd.s32 $0xFFFFFFB0  }
0x98: {  	_ =	swait.ge [sflag:s22], $0x2800  }
.Ltmp1:
0x99: {  	[sflag:s22] =	ssyncset.done $0x0;
	(pc) =	sbr.rel @p0 .LBB2_4-.Ltmp1, $4  }
0x9a: {  	[sflag:s22] =	ssyncadd.s32 $0xFFFFD800  }
0x9b: {  	[spmem:s3] =	stream.indirect.scatter.add.f32 [tilespmem:s29], [sflag:$0x4], $0x80, s31, s24, $0xb8;
	[tilespmem:$0x1DC00] =	vst v63  }
0x9c: {  	s11 =	sadd.s32 $0xF0, s11;
	s8 =	sadd.s32 $0x1E, s8;
	_ =	swait.ge [sflag:s30], $0x2800  }
0x9d: {  	s10 =	sadd.s32 $0x1E, s10;
	s12 =	smov.u32 s7;
	[sflag:s30] =	ssyncset.done $0x0  }
0x9e: {  	[sflag:s30] =	ssyncadd.s32 $0xFFFFD800  }
0x9f: {  	_ =	swait.ge [sflag:s2], $0x50  }
0xa0: {  	[sflag:s2] =	ssyncset.done $0x0  }
0xa1: {  	[sflag:s2] =	ssyncadd.s32 $0xFFFFFFB0  }
0xa2: {  	_ =	swait.ge [sflag:s2], $0x2800  }
0xa3: {  	[sflag:s2] =	ssyncset.done $0x0  }
0xa4: {  	[sflag:s2] =	ssyncadd.s32 $0xFFFFD800  }
0xa5: {  	[spmem:s3] =	stream.indirect.scatter.add.f32 [tilespmem:s25], [sflag:$0x4], $0x80, s23, s24, $0xb8;
	[tilespmem:$0x1DC00] =	vst v63  }
0xa6: {  	_ =	swait.ge [sflag:s30], $0x2800  }
0xa7: {  	[sflag:s30] =	ssyncset.done $0x0  }
0xa8: {  	[sflag:s30] =	ssyncadd.s32 $0xFFFFD800  }
0xa9: {  	_ =	swait.ge [sflag:s0], $0x50  }
0xaa: {  	[sflag:s0] =	ssyncset.done $0x0  }
0xab: {  	[sflag:s0] =	ssyncadd.s32 $0xFFFFFFB0  }
0xac: {  	_ =	swait.ge [sflag:s0], $0x2800  }
0xad: {  	[sflag:s0] =	ssyncset.done $0x0  }
0xae: {  	[sflag:s0] =	ssyncadd.s32 $0xFFFFD800  }
0xaf: {  	[spmem:s3] =	stream.indirect.scatter.add.f32 [tilespmem:s28], [sflag:$0x4], $0x80, s26, s24, $0xb8;
	[tilespmem:$0x1DC00] =	vst v63  }
0xb0: {  	s7 =	stileid.u32;
	_ =	swait.ge [sflag:s30], $0x2800  }
0xb1: {  	s8 =	sshrl.u32 s9, $0x3;
	s6 =	sadd.s32 $0x1, s6;
	[sflag:s30] =	ssyncset.done $0x0  }
0xb2: {  	s7 =	sshll.u32 s7, $0x6;
	p0 =	sne.s32 s6, s18;
	[sflag:s30] =	ssyncadd.s32 $0xFFFFD800  }
.Ltmp2:
0xb3: {  	s7 =	sor.u32 $0x1C04, s7;
	[bflag:$0x0] =	sbarrier.arrive $0xFFFF;
	(pc) =	sbr.rel @p0 .LBB2_1-.Ltmp2, $4  }
0xb4: {  	[hbm:s17], [sflag:s7] =	dma.local [spmem:s8], $0x2800  }
0xb5: {  	_ =	swait.ge [sflag:s30], $0x2800  }
0xb6: {  	[sflag:s30] =	ssyncset.done $0x0  }
0xb7: {  	[sflag:s30] =	ssyncadd.s32 $0xFFFFD800  }
0xb8: {  	_ =	sfence.sel $0x180000  }
0xb9: {  	[bflag:$0x0] =	sbarrier.arrive $0xFFFF  }
0xba: {  	_ =	strace $0x90000047  }
0xbb: {  	s0 =	stileid.u32;
	[bflag:$0x2] =	sbarrier.arrive $0xFFFF  }
0xbc: {  	p0 =	sne.s32 s0, $0x0;
	s0 =	rddreg [dreg:$0x3]  }
0xbd: {  	s0 =	sadd.s32 @!p0 $0x100000, s0  }
0xbe: {  	[sflag:s0] =	ssyncadd.tile.s32 @!p0 $0x1;
	_ =	shalt  }
.Lfunc_end2:
_tile_overlayer_lowered:
.L_overlay_start_2:
0xbf: {  	(tag) =	ssettag $0x2  }
0xc0: {  	s0 =	rddreg [dreg:$0x0];
	s2 =	stileid.u32  }
0xc1: {  	s1 =	rddreg [dreg:$0x1];
	p0 =	sne.s32 s2, $0x0  }
0xc2: {  	s3 =	rddreg [dreg:$0x2];
	[bflag:$0x3] =	sbarrier.arrive $0xFFFF;
	s2 =	simm.s32 @!p0 $0x1C04  }
0xc3: {  	[timem:s3], [sflag:s2] =	dma.local @!p0 [hbm:s0], s1  }
0xc4: {  	s0 =	simm.s32 @!p0 $0x4  }
0xc5: {  	_ =	swait.ge @!p0 [sflag:s0], s1  }
0xc6: {  	s1 =	ssub.s32 @!p0 $0x0, s1;
	[sflag:s0] =	ssyncset.done @!p0 $0x0  }
0xc7: {  	[sflag:s0] =	ssyncadd.s32 @!p0 s1  }
0xc8: {  	[bflag:$0x3] =	sbarrier.arrive $0xFFFF  }
0xc9: {  	_ =	shalt  }

// kernel: kernel.9.cloned.1.call-start
scs
__scs_entry_jumppad:
0x0: {  	(pc) =	sbr.rel $0x88, $3  }
0x1: {  	(tag) =	ssettag $0x0;
	lr =	simm.s32 $0x1  }
0x2: {  	[smem:$0x3F8E] =	sst lr;
	_ =	strace $0xD0000000  }
0x3: {  	_ = 	snop  }
0x4: {  	_ = 	snop  }
0x5: {  	_ = 	snop  }
0x6: {  	_ = 	snop  }
0x7: {  	_ = 	snop  }
__scs_overlays_trampoline_lowered:
0x8: {  	[smem:$0x3F9D] =	sst s0  }
0x9: {  	[smem:$0x3F9E] =	sst s1  }
0xa: {  	[smem:$0x3F9F] =	sst s2  }
0xb: {  	[smem:$0x3FA0] =	sst s3  }
0xc: {  	[smem:$0x3FA1] =	sst s4  }
0xd: {  	[smem:$0x3FA2] =	sst s5  }
0xe: {  	[smem:$0x3FA3] =	sst s6  }
0xf: {  	[smem:$0x3FA4] =	sst s7  }
0x10: {  	[smem:$0x3FA5] =	sst s8  }
0x11: {  	[smem:$0x3FA6] =	sst s9;
	s0 =	simm.s32 @!p0 $0x0  }
0x12: {  	s1 =	sld [smem:$0x3F8C];
	s0 =	simm.s32 @p0 $0x1  }
0x13: {  	[smem:$0x3FA7] =	sst s0;
	s0 =	simm.s32 @!p1 $0x0  }
0x14: {  	s2 =	sld [smem:$0x3F8B];
	s0 =	simm.s32 @p1 $0x1  }
0x15: {  	[smem:$0x3FA8] =	sst s0;
	s0 =	simm.s32 @!p2 $0x0  }
0x16: {  	s3 =	sld [smem:$0x3FDB];
	s0 =	simm.s32 @p2 $0x1  }
0x17: {  	s4 =	simm.s32 $0x1BF5;
	[smem:$0x3FAA] =	sst s0  }
0x18: {  	s0 =	sld [smem:$0x3F8D];
	_ =	swait.ge [sflag:s4], $0x0  }
0x19: {  	s7 =	sld [smem:$0x3F8E]  }
0x1a: {  	s8 =	sadd.s32 $0xFFFFE003, lr  }
0x1b: {  	s9 =	sadd.s32 $0xFFFFFEF7, lr;
	s5 =	simm.s32 $0xFFFFFFFF;
	p2 =	slt.u32 s8, $0xFFFFF086  }
0x1c: {  	p1 =	slt.u32 s9, $0xF7A;
	s5 =	simm.s32 @!p2 $0x0  }
0x1d: {  	s5 =	simm.s32 @p1 $0x1;
	p0 =	seq.s32 s7, s2  }
0x1e: {  	s7 =	smul.u32 @!p0 $0xF7A, s2;
	p2 =	seq.s32 @!p0 s5, $0x0  }
0x1f: {  	s9 =	smul.u32 $0xF7A, s1;
	s8 =	simm.s32 @!p0 $0x1BF5;
	p2 =	por !p2, p0  }
0x20: {  	[sflag:s8] =	ssyncset.s32 @!p0 $0xFFFFF086;
	s6 =	sadd.s32 @!p0 s3, s7;
	s7 =	simm.s32 @!p0 $0x108  }
0x21: {  	s3 =	sadd.s32 s3, s9;
	s6 =	sadd.s32 @!p0 $0x88, s6;
	s7 =	simm.s32 @p2 $0x1082  }
0x22: {  	[simem:s7], [sflag:s8] =	dma.local @!p0 [hbm:s6], $0xF7A  }
0x23: {  	s9 =	sor.u32 $0xD0000000, s2;
	s6 =	simm.s32 $0x108;
	_ =	swait.ge @!p0 [sflag:s8], $0x0  }
0x24: {  	s3 =	sadd.s32 $0x88, s3;
	s6 =	simm.s32 @!p1 $0x1082;
	[sflag:s4] =	ssyncset.s32 $0xFFFFF086  }
0x25: {  	[simem:s6], [sflag:s4] =	dma.local [hbm:s3], $0xF7A  }
0x26: {  	[smem:$0x3F8E] =	sst s1;
	(tag) =	ssettag s2;
	_ =	strace s9  }
0x27: {  	s1 =	sld [smem:$0x3F9E]  }
0x28: {  	s2 =	sld [smem:$0x3F9F]  }
0x29: {  	s4 =	sld [smem:$0x3FA1]  }
0x2a: {  	p0 =	seq.s32 s5, $0x0;
	s5 =	sld [smem:$0x3FA2]  }
0x2b: {  	s6 =	sld [smem:$0x3FA3]  }
0x2c: {  	s7 =	sld [smem:$0x3FA4]  }
0x2d: {  	s3 =	simm.s32 $0x108;
	s8 =	sld [smem:$0x3FA5]  }
0x2e: {  	s3 =	simm.s32 @!p0 $0x1082;
	s9 =	sld [smem:$0x3FA6]  }
0x2f: {  	lr =	sadd.s32 s0, s3;
	s0 =	sld [smem:$0x3F9D]  }
0x30: {  	s3 =	sld [smem:$0x3FA0]  }
0x31: {  	[smem:$0x3FA9] =	sst s10  }
0x32: {  	s10 =	sld [smem:$0x3FA7];
	_ =	sdelay $0x3  }
0x33: {  	p0 =	seq.s32 s10, $0x1;
	s10 =	sld [smem:$0x3FA9];
	_ =	sdelay $0x3  }
0x34: {  	[smem:$0x3FA9] =	sst s10  }
0x35: {  	s10 =	sld [smem:$0x3FA8];
	_ =	sdelay $0x3  }
0x36: {  	p1 =	seq.s32 s10, $0x1;
	s10 =	sld [smem:$0x3FA9];
	_ =	sdelay $0x3  }
0x37: {  	[smem:$0x3FA9] =	sst s10  }
0x38: {  	s10 =	sld [smem:$0x3FAA]  }
0x39: {  	_ = 	snop;
	(pc) =	sbr.ind lr, $3  }
0x3a: {  	_ = 	snop  }
0x3b: {  	_ = 	snop  }
0x3c: {  	p2 =	seq.s32 s10, $0x1;
	s10 =	sld [smem:$0x3FA9]  }
0x3d: {  	_ =	shalt  }
0x3e: {  	_ =	shalt  }
0x3f: {  	_ =	shalt  }
0x40: {  	_ =	shalt  }
0x41: {  	_ =	shalt  }
0x42: {  	_ =	shalt  }
0x43: {  	_ =	shalt  }
0x44: {  	_ =	shalt  }
0x45: {  	_ =	shalt  }
0x46: {  	_ =	shalt  }
0x47: {  	_ =	shalt  }
0x48: {  	_ =	shalt  }
0x49: {  	_ =	shalt  }
0x4a: {  	_ =	shalt  }
0x4b: {  	_ =	shalt  }
0x4c: {  	_ =	shalt  }
0x4d: {  	_ =	shalt  }
0x4e: {  	_ =	shalt  }
0x4f: {  	_ =	shalt  }
0x50: {  	_ =	shalt  }
0x51: {  	_ =	shalt  }
0x52: {  	_ =	shalt  }
0x53: {  	_ =	shalt  }
0x54: {  	_ =	shalt  }
0x55: {  	_ =	shalt  }
0x56: {  	_ =	shalt  }
0x57: {  	_ =	shalt  }
0x58: {  	_ =	shalt  }
0x59: {  	_ =	shalt  }
0x5a: {  	_ =	shalt  }
0x5b: {  	_ =	shalt  }
0x5c: {  	_ =	shalt  }
0x5d: {  	_ =	shalt  }
0x5e: {  	_ =	shalt  }
0x5f: {  	_ =	shalt  }
0x60: {  	_ =	shalt  }
0x61: {  	_ =	shalt  }
0x62: {  	_ =	shalt  }
0x63: {  	_ =	shalt  }
0x64: {  	_ =	shalt  }
0x65: {  	_ =	shalt  }
0x66: {  	_ =	shalt  }
0x67: {  	_ =	shalt  }
0x68: {  	_ =	shalt  }
0x69: {  	_ =	shalt  }
0x6a: {  	_ =	shalt  }
0x6b: {  	_ =	shalt  }
0x6c: {  	_ =	shalt  }
0x6d: {  	_ =	shalt  }
0x6e: {  	_ =	shalt  }
0x6f: {  	_ =	shalt  }
0x70: {  	_ =	shalt  }
0x71: {  	_ =	shalt  }
0x72: {  	_ =	shalt  }
0x73: {  	_ =	shalt  }
0x74: {  	_ =	shalt  }
0x75: {  	_ =	shalt  }
0x76: {  	_ =	shalt  }
0x77: {  	_ =	shalt  }
0x78: {  	_ =	shalt  }
0x79: {  	_ =	shalt  }
0x7a: {  	_ =	shalt  }
0x7b: {  	_ =	shalt  }
0x7c: {  	_ =	shalt  }
0x7d: {  	_ =	shalt  }
0x7e: {  	_ =	shalt  }
0x7f: {  	_ =	shalt  }
0x80: {  	_ =	shalt  }
0x81: {  	_ =	shalt  }
0x82: {  	_ =	shalt  }
0x83: {  	_ =	shalt  }
0x84: {  	_ =	shalt  }
0x85: {  	_ =	shalt  }
0x86: {  	_ =	shalt  }
0x87: {  	_ =	shalt  }
.Lfunc_end0:
.L_simem_size_0:
called_computation.1_lowered:
.L_overlay_start_0:
0x88: {  	s2 =	sld [smem:$0x3FD9]  }
0x89: {  	s3 =	sld [smem:$0x3FFE];
	_ =	sdelay $0x1  }
0x8a: {  	s1 =	srdreg.scid  }
0x8b: {  	s0 =	sand.u32 $0x1, s1  }
0x8c: {  	s16 =	sshll.u32 s0, $0xA;
	s2 =	sadd.s32 s3, s2  }
0x8d: {  	s2 =	sadd.s32 s2, s16  }
0x8e: {  	[smem:$0x3FB5] =	sst s2  }
0x8f: {  	_ = 	snop  }
0x90: {  	(tm) =	ssettm $0x1  }
0x91: {  	s17 =	sld [smem:$0x3FFB];
	_ =	sdelay $0x3  }
0x92: {  	_ =	strace s17  }
0x93: {  	s2 =	sld [smem:$0x3FFC];
	_ =	sdelay $0x3  }
0x94: {  	_ =	strace s2  }
0x95: {  	s2 =	sld [smem:$0x3FFD];
	_ =	sdelay $0x3  }
0x96: {  	_ =	strace s2  }
0x97: {  	_ =	strace $0x8FFFFFFF  }
0x98: {  	s18 =	sld [smem:$0x3FDB];
	_ =	sdelay $0x1  }
0x99: {  	s19 =	simm.s32 $_scs_section_size  }
0x9a: {  	s4 =	simm.s32 $_size__tile_overlayer_lowered;
	s5 =	simm.s32 $_tile_overlayer_lowered  }
0x9b: {  	s22 =	simm.s32 $0x1BFF;
	s21 =	sshll.u32 s5, $0x1;
	s2 =	sadd.s32 s19, s18  }
0x9c: {  	s6 =	simm.s32 $0x0;
	s20 =	sshll.u32 s4, $0x1;
	s4 =	sadd.s32 s21, s2  }
0x9d: {  	[timem:s6], [sflag:s22] =	dma.local [hbm:s4], s20  }
0x9e: {  	_ =	swait.ge [sflag:s22], s20  }
0x9f: {  	s3 =	ssub.s32 $0x0, s20;
	[sflag:s22] =	ssyncset.done $0x0  }
0xa0: {  	[sflag:s22] =	ssyncadd.s32 s3;
	_ =	sdelay $0x1  }
0xa1: {  	s23 =	simm.s32 $0x1B8B  }
0xa2: {  	_ =	swait.ge [sflag:s23], $0x1  }
0xa3: {  	[sflag:s23] =	ssyncset.done $0x0  }
0xa4: {  	s25 =	simm.s32 $0x1B8E;
	s24 =	sld [smem:$0x3FFE];
	[sflag:s23] =	ssyncadd.s32 $0xFFFFFFFF  }
0xa5: {  	s26 =	simm.s32 $execute0_lowered;
	[smem:$0x3FD2] =	sst s25  }
0xa6: {  	s4 =	sshll.u32 s26, $0x1;
	_ =	strace $0x80000049;
	[dreg:$0x1] =	wrdreg $0xFFFFFFFF  }
0xa7: {  	s28 =	simm.s32 $_size_execute0_lowered;
	s2 =	sadd.s32 s2, s4;
	[dreg:$0x0] =	wrdreg $0x0  }
0xa8: {  	s4 =	sshll.u32 s28, $0x1;
	[dreg:$0x2] =	wrdreg s2  }
0xa9: {  	[dreg:$0x3] =	wrdreg s4  }
0xaa: {  	[dreg:$0x4] =	wrdreg $0xC0  }
0xab: {  	_ =	task [dreg:s6], $0x5FFFF  }
0xac: {  	[dreg:$0x1] =	wrdreg $0xFFFFFFFF  }
0xad: {  	[dreg:$0x0] =	wrdreg $0x60  }
0xae: {  	[dreg:$0x2] =	wrdreg s24  }
0xaf: {  	[dreg:$0x3] =	wrdreg $0xA3800  }
0xb0: {  	[dreg:$0x4] =	wrdreg $0x9  }
0xb1: {  	_ =	task.clear_ibuf [dreg:s6], $0x5FFFF;
	_ =	strace $0x90000049  }
0xb2: {  	s29 =	simm.s32 $0x9;
	_ =	strace $0x8000004B  }
0xb3: {  	_ =	swait.ge [sflag:s29], $0x1  }
0xb4: {  	[sflag:s29] =	ssyncadd.s32 $0xFFFFFFFF  }
0xb5: {  	_ =	strace $0x9000004B  }
0xb6: {  	_ =	sfence  }
0xb7: {  	s30 =	sld [smem:$0x0];
	_ =	sdelay $0x2  }
0xb8: {  	s31 =	sshll.u32 s1, $0xD;
	s1 =	sshrl.u32 s1, $0x2  }
0xb9: {  	s3 =	sand.u32 $0x4000, s31;
	s1 =	sadd.s32 s1, s30  }
0xba: {  	s0 =	sor.u32 s3, s0;
	s1 =	sshll.u32 s1, $0x11  }
0xbb: {  	s0 =	sor.u32 s1, s0  }
0xbc: {  	s0 =	sadd.s32 $0x8F2B, s0  }
0xbd: {  	[sflag:s0] =	ssyncadd.remote.s32 $0x1  }
0xbe: {  	_ =	sfence.sel $0xFFFF  }
0xbf: {  	[dreg:$0x0] =	wrdreg $0xFFFFFFFF;
	(pc) =	sbr.abs _section_cstart, $3  }
0xc0: {  	[dreg:$0x1] =	wrdreg $0xFFFFFFFF  }
0xc1: {  	_ =	task.clear_ibuf [dreg:s6], $0x2FFFF;
	_ =	strace $0x9FFFFFFF  }
0xc2: {  	(tm) =	ssettm $0x7FFFFFFF  }
0xc3: {  	_ =	shalt  }
tec
execute0_lowered:
.L_overlay_start_1:
0x0: {  	(tag) =	ssettag $0x1  }
0x1: {  	s0 =	srdreg.scid;
	s12 =	stileid.u32  }
0x2: {  	s1 =	rddreg [dreg:$0x0];
	s5 =	smul.u32 $0x2700, s12  }
0x3: {  	s2 =	rddreg [dreg:$0x1];
	s28 =	simm.s32 $0x7B80;
	s11 =	smul.u32 $0x4E000, s12  }
0x4: {  	s29 =	simm.s32 $0x2B80;
	s0 =	sand.u32 $0x1, s0;
	s20 =	smul.u32 $0x4E20, s12  }
0x5: {  	s30 =	simm.s32 $0x4;
	s3 =	sshll.u32 s12, $0x1;
	s7 =	smul.u32 $0x27100, s0  }
0x6: {  	s4 =	sor.u32 s0, s3;
	s9 =	ssub.s32 $0x2, s0;
	s0 =	smul.u32 $0x2710, s0  }
0x7: {  	s31 =	simm.s32 $0x2780;
	s3 =	simm.s32 $0x0;
	s4 =	smul.u32 $0x2710, s4  }
0x8: {  	[smem:$0x7FF] =	sst s3;
	s10 =	sshrl.u32 s9, $0x1;
	s19 =	sshrl.u32 s11, $0x2  }
0x9: {  	_ =	strace $0x8000004A;
	s7 =	sadd.s32 s5, s7;
	s5 =	sadd.s32 $0x3200, s1  }
0xa: {  	s14 =	ssub.s32 s9, s10;
	s9 =	sadd.s32 s19, s2;
	s0 =	sadd.s32 s0, s20  }
0xb: {  	s6 =	sshrl.u32 s4, $0x3;
	s4 =	sadd.s32 $0x16E00, s1;
	s21 =	sadd.s32 $0x2800, s9  }
0xc: {  	s22 =	sadd.s32 $0x5000, s9;
	s23 =	sadd.s32 $0x7800, s9;
	s24 =	sadd.s32 $0xA000, s9  }
0xd: {  	s25 =	sadd.s32 $0xC800, s9;
	s15 =	sadd.s32 $0xF000, s9;
	[dreg:$0x6] =	wrdreg s21  }
0xe: {  	s16 =	sadd.s32 $0x11800, s9;
	s26 =	sadd.s32 $0x140, s0;
	[dreg:$0x7] =	wrdreg s22  }
0xf: {  	s20 =	sadd.s32 $0xF0, s0;
	s8 =	sadd.s32 s6, s1;
	[dreg:$0x8] =	wrdreg s23  }
0x10: {  	s1 =	sadd.s32 s7, s1;
	s18 =	sadd.s32 s5, s6;
	[dreg:$0x9] =	wrdreg s24  }
0x11: {  	[dreg:$0xa] =	wrdreg s25;
	s6 =	sadd.s32 $0xA0, s0;
	s22 =	simm.s32 $0x1  }
0x12: {  	s23 =	simm.s32 $0x2800;
	s24 =	simm.s32 $0x50;
	s25 =	simm.s32 $0x5380  }
0x13: {  	s0 =	simm.s32 $0x3;
	s8 =	sadd.s32 $0xD000, s8;
	[dreg:$0x4] =	wrdreg s18  }
0x14: {  	s17 =	sadd.s32 $0x3E000, s1;
	s1 =	sshrl.u32 s26, $0x3;
	s6 =	sshrl.u32 s6, $0x3  }
0x15: {  	s26 =	simm.s32 $0x2880;
	[dreg:$0x3] =	wrdreg s8;
	s8 =	sadd.s32 $0xA, s18  }
0x16: {  	s18 =	smax.u32 s14, $0x1;
	s19 =	sadd.s32 s1, s5;
	s21 =	sadd.s32 s6, s5  }
0x17: {  	v0 =	vimm.f32 $0.0e+00;
	s1 =	simm.s32 $0x2;
	s6 =	simm.s32 $0x0;
	[dreg:$0x5] =	wrdreg s8  }
.LBB2_1:
0x18: {  	s7 =	rddreg [dreg:$0x3];
	s14 =	sand.u32 $0xFE00, s3  }
0x19: {  	[tilespmem:s3], [sflag:$0x1] =	stream.linear.gather [hbm4b:s7+s3], $0x2710, $0x38;
	[tilespmem:$0x1DC00] =	vst v63  }
0x1a: {  	s10 =	sand.u32 $0x70, s3;
	s7 =	sshrl.u32 s14, $0x2  }
0x1b: {  	s8 =	simm.s32 $0x40;
	s7 =	sor.u32 s10, s7;
	s10 =	simm.s32 $0x0  }
.LBB2_2:
0x1c: {  	p0 =	sne.s32 s8, $0x9FC0  }
0x1d: {  	[tilespmem:s7+$0x2B80] =	vst v0;
	s10 =	sadd.s32 $0x10, s10;
	s7 =	smov.u32 s8;
	s8 =	sadd.s32 $0x40, s8  }
.Ltmp0:
0x1e: {  	(pc) =	sbr.rel @p0 .LBB2_2-.Ltmp0, $4  }
0x1f: {  	_ = 	snop  }
0x20: {  	s7 =	sand.u32 $0xFE00, s7  }
0x21: {  	s11 =	sand.u32 $0x70, s10;
	s7 =	sshrl.u32 s7, $0x2  }
0x22: {  	s7 =	sor.u32 s11, s7  }
0x23: {  	[tilespmem:s7+$0x2B80] =	vst v0  }
0x24: {  	_ =	swait.ge [sflag:s22], $0x2710  }
0x25: {  	[sflag:s22] =	ssyncset.done $0x0  }
0x26: {  	s10 =	simm.s32 $0x0;
	s8 =	rddreg [dreg:$0x4];
	[sflag:s22] =	ssyncadd.s32 $0xFFFFD8F0  }
0x27: {  	[tilespmem:s23], [sflag:$0x2] =	stream.linear.gather [hbm4b:s8+s10], $0x50, $0x38;
	[tilespmem:$0x1DC00] =	vst v63  }
0x28: {  	_ = 	snop  }
0x29: {  	[tilespmem:s25], [sflag:$0x2] =	stream.indirect.gather [hbm4b:s4+s24], $0x80, s10, s24, $0xb8;
	[tilespmem:$0x1DC00] =	vst v63  }
0x2a: {  	s11 =	rddreg [dreg:$0x5]  }
0x2b: {  	[tilespmem:s26], [sflag:$0x3] =	stream.linear.gather [hbm4b:s11+s10], $0x50, $0x38;
	[tilespmem:$0x1DC00] =	vst v63  }
0x2c: {  	_ = 	snop  }
0x2d: {  	[tilespmem:s28], [sflag:$0x3] =	stream.indirect.gather [hbm4b:s4+s24], $0x80, s24, s24, $0xb8;
	[tilespmem:$0x1DC00] =	vst v63  }
0x2e: {  	_ = 	snop  }
0x2f: {  	[spmem:s9] =	stream.linear.scatter [tilespmem:s29], [sflag:$0x4], $0x2800, $0x38;
	[tilespmem:$0x1DC00] =	vst v63  }
0x30: {  	_ =	swait.ge [sflag:s30], $0x2800  }
0x31: {  	[sflag:s30] =	ssyncset.done $0x0  }
0x32: {  	s12 =	rddreg [dreg:$0x6];
	[sflag:s30] =	ssyncadd.s32 $0xFFFFD800  }
0x33: {  	[spmem:s12] =	stream.linear.scatter [tilespmem:s29], [sflag:$0x4], $0x2800, $0x38;
	[tilespmem:$0x1DC00] =	vst v63  }
0x34: {  	_ =	swait.ge [sflag:s30], $0x2800  }
0x35: {  	[sflag:s30] =	ssyncset.done $0x0  }
0x36: {  	s13 =	rddreg [dreg:$0x7];
	[sflag:s30] =	ssyncadd.s32 $0xFFFFD800  }
0x37: {  	[spmem:s13] =	stream.linear.scatter [tilespmem:s29], [sflag:$0x4], $0x2800, $0x38;
	[tilespmem:$0x1DC00] =	vst v63  }
0x38: {  	_ =	swait.ge [sflag:s30], $0x2800  }
0x39: {  	[sflag:s30] =	ssyncset.done $0x0  }
0x3a: {  	s14 =	rddreg [dreg:$0x8];
	[sflag:s30] =	ssyncadd.s32 $0xFFFFD800  }
0x3b: {  	[spmem:s14] =	stream.linear.scatter [tilespmem:s29], [sflag:$0x4], $0x2800, $0x38;
	[tilespmem:$0x1DC00] =	vst v63  }
0x3c: {  	_ =	swait.ge [sflag:s30], $0x2800  }
0x3d: {  	[sflag:s30] =	ssyncset.done $0x0  }
0x3e: {  	s8 =	rddreg [dreg:$0x9];
	[sflag:s30] =	ssyncadd.s32 $0xFFFFD800  }
0x3f: {  	[spmem:s8] =	stream.linear.scatter [tilespmem:s29], [sflag:$0x4], $0x2800, $0x38;
	[tilespmem:$0x1DC00] =	vst v63  }
0x40: {  	_ =	swait.ge [sflag:s30], $0x2800  }
0x41: {  	[sflag:s30] =	ssyncset.done $0x0  }
0x42: {  	s10 =	rddreg [dreg:$0xa];
	[sflag:s30] =	ssyncadd.s32 $0xFFFFD800  }
0x43: {  	[spmem:s10] =	stream.linear.scatter [tilespmem:s29], [sflag:$0x4], $0x2800, $0x38;
	[tilespmem:$0x1DC00] =	vst v63  }
0x44: {  	_ =	swait.ge [sflag:s30], $0x2800  }
0x45: {  	[sflag:s30] =	ssyncset.done $0x0  }
0x46: {  	[sflag:s30] =	ssyncadd.s32 $0xFFFFD800  }
0x47: {  	[spmem:s15] =	stream.linear.scatter [tilespmem:s29], [sflag:$0x4], $0x2800, $0x38;
	[tilespmem:$0x1DC00] =	vst v63  }
0x48: {  	_ =	swait.ge [sflag:s30], $0x2800  }
0x49: {  	[sflag:s30] =	ssyncset.done $0x0  }
0x4a: {  	[sflag:s30] =	ssyncadd.s32 $0xFFFFD800  }
0x4b: {  	[spmem:s16] =	stream.linear.scatter [tilespmem:s29], [sflag:$0x4], $0x2800, $0x38;
	[tilespmem:$0x1DC00] =	vst v63  }
0x4c: {  	_ =	swait.ge [sflag:s30], $0x2800  }
0x4d: {  	[sflag:s30] =	ssyncset.done $0x0  }
0x4e: {  	[sflag:s30] =	ssyncadd.s32 $0xFFFFD800  }
0x4f: {  	[bflag:$0x0] =	sbarrier.arrive $0xFFFF  }
0x50: {  	[tilespmem:s31], [sflag:$0x1] =	stream.linear.gather [hbm4b:s21+s3], $0x50, $0x38;
	[tilespmem:$0x1DC00] =	vst v63  }
0x51: {  	s11 =	simm.s32 $0xA0  }
0x52: {  	[tilespmem:s29], [sflag:$0x1] =	stream.indirect.gather [hbm4b:s4+s24], $0x80, s11, s24, $0xb8;
	[tilespmem:$0x1DC00] =	vst v63  }
0x53: {  	_ =	swait.ge [sflag:s1], $0x50  }
0x54: {  	[sflag:s1] =	ssyncset.done $0x0  }
0x55: {  	[sflag:s1] =	ssyncadd.s32 $0xFFFFFFB0  }
0x56: {  	_ =	swait.ge [sflag:s1], $0x2800  }
0x57: {  	[sflag:s1] =	ssyncset.done $0x0  }
0x58: {  	[sflag:s1] =	ssyncadd.s32 $0xFFFFD800  }
0x59: {  	[spmem:s2] =	stream.indirect.scatter.add.f32 [tilespmem:s25], [sflag:$0x4], $0x80, s23, s24, $0xb8;
	[tilespmem:$0x1DC00] =	vst v63  }
0x5a: {  	_ =	swait.ge [sflag:s30], $0x2800  }
0x5b: {  	s12 =	sshrl.u32 s20, $0x3;
	[sflag:s30] =	ssyncset.done $0x0  }
0x5c: {  	s7 =	sadd.s32 s5, s12;
	[sflag:s30] =	ssyncadd.s32 $0xFFFFD800  }
0x5d: {  	[tilespmem:s23], [sflag:$0x2] =	stream.linear.gather [hbm4b:s7+s3], $0x50, $0x38;
	[tilespmem:$0x1DC00] =	vst v63  }
0x5e: {  	s13 =	simm.s32 $0xF0  }
0x5f: {  	[tilespmem:s25], [sflag:$0x2] =	stream.indirect.gather [hbm4b:s4+s24], $0x80, s13, s24, $0xb8;
	[tilespmem:$0x1DC00] =	vst v63  }
0x60: {  	_ =	swait.ge [sflag:s0], $0x50  }
0x61: {  	[sflag:s0] =	ssyncset.done $0x0  }
0x62: {  	[sflag:s0] =	ssyncadd.s32 $0xFFFFFFB0  }
0x63: {  	_ =	swait.ge [sflag:s0], $0x2800  }
0x64: {  	[sflag:s0] =	ssyncset.done $0x0  }
0x65: {  	[sflag:s0] =	ssyncadd.s32 $0xFFFFD800  }
0x66: {  	[spmem:s2] =	stream.indirect.scatter.add.f32 [tilespmem:s28], [sflag:$0x4], $0x80, s26, s24, $0xb8;
	[tilespmem:$0x1DC00] =	vst v63  }
0x67: {  	_ =	swait.ge [sflag:s30], $0x2800  }
0x68: {  	[sflag:s30] =	ssyncset.done $0x0  }
0x69: {  	[sflag:s30] =	ssyncadd.s32 $0xFFFFD800  }
0x6a: {  	[tilespmem:s26], [sflag:$0x3] =	stream.linear.gather [hbm4b:s19+s3], $0x50, $0x38;
	[tilespmem:$0x1DC00] =	vst v63  }
0x6b: {  	s14 =	simm.s32 $0x140  }
0x6c: {  	[tilespmem:s28], [sflag:$0x3] =	stream.indirect.gather [hbm4b:s4+s24], $0x80, s14, s24, $0xb8;
	[tilespmem:$0x1DC00] =	vst v63  }
0x6d: {  	_ =	swait.ge [sflag:s22], $0x50  }
0x6e: {  	[sflag:s22] =	ssyncset.done $0x0  }
0x6f: {  	[sflag:s22] =	ssyncadd.s32 $0xFFFFFFB0  }
0x70: {  	_ =	swait.ge [sflag:s22], $0x2800  }
0x71: {  	[sflag:s22] =	ssyncset.done $0x0  }
0x72: {  	[sflag:s22] =	ssyncadd.s32 $0xFFFFD800  }
0x73: {  	[spmem:s2] =	stream.indirect.scatter.add.f32 [tilespmem:s29], [sflag:$0x4], $0x80, s31, s24, $0xb8;
	[tilespmem:$0x1DC00] =	vst v63  }
0x74: {  	s12 =	simm.s32 $0x3C0;
	s8 =	sadd.s32 $0x1E, s21;
	_ =	swait.ge [sflag:s30], $0x2800  }
0x75: {  	s10 =	sadd.s32 $0x1E, s19;
	s11 =	sadd.s32 $0xF0, s20;
	[sflag:s30] =	ssyncset.done $0x0  }
.LBB2_4:
0x76: {  	s7 =	smov.u32 s12  }
0x77: {  	s13 =	sshra.s32 s12, $0x2;
	[sflag:s30] =	ssyncadd.s32 $0xFFFFD800;
	s7 =	sadd.s32 $0x3C0, s12  }
0x78: {  	[tilespmem:s31], [sflag:$0x1] =	stream.linear.gather [hbm4b:s8+s3], $0x50, $0x38;
	[tilespmem:$0x1DC00] =	vst v63  }
0x79: {  	p0 =	sne.s32 s12, $0x9600;
	s14 =	sadd.s32 $0xA0, s13  }
0x7a: {  	[tilespmem:s29], [sflag:$0x1] =	stream.indirect.gather [hbm4b:s4+s24], $0x80, s14, s24, $0xb8;
	[tilespmem:$0x1DC00] =	vst v63  }
0x7b: {  	_ =	swait.ge [sflag:s1], $0x50  }
0x7c: {  	[sflag:s1] =	ssyncset.done $0x0  }
0x7d: {  	[sflag:s1] =	ssyncadd.s32 $0xFFFFFFB0  }
0x7e: {  	_ =	swait.ge [sflag:s1], $0x2800  }
0x7f: {  	[sflag:s1] =	ssyncset.done $0x0  }
0x80: {  	[sflag:s1] =	ssyncadd.s32 $0xFFFFD800  }
0x81: {  	[spmem:s2] =	stream.indirect.scatter.add.f32 [tilespmem:s25], [sflag:$0x4], $0x80, s23, s24, $0xb8;
	[tilespmem:$0x1DC00] =	vst v63  }
0x82: {  	_ =	swait.ge [sflag:s30], $0x2800  }
0x83: {  	s12 =	sshrl.u32 s11, $0x3;
	[sflag:s30] =	ssyncset.done $0x0  }
0x84: {  	s12 =	sadd.s32 s5, s12;
	[sflag:s30] =	ssyncadd.s32 $0xFFFFD800  }
0x85: {  	[tilespmem:s23], [sflag:$0x2] =	stream.linear.gather [hbm4b:s12+s3], $0x50, $0x38;
	[tilespmem:$0x1DC00] =	vst v63  }
0x86: {  	s12 =	sadd.s32 $0xF0, s13  }
0x87: {  	[tilespmem:s25], [sflag:$0x2] =	stream.indirect.gather [hbm4b:s4+s24], $0x80, s12, s24, $0xb8;
	[tilespmem:$0x1DC00] =	vst v63  }
0x88: {  	_ =	swait.ge [sflag:s0], $0x50  }
0x89: {  	[sflag:s0] =	ssyncset.done $0x0  }
0x8a: {  	[sflag:s0] =	ssyncadd.s32 $0xFFFFFFB0  }
0x8b: {  	_ =	swait.ge [sflag:s0], $0x2800  }
0x8c: {  	[sflag:s0] =	ssyncset.done $0x0  }
0x8d: {  	[sflag:s0] =	ssyncadd.s32 $0xFFFFD800  }
0x8e: {  	[spmem:s2] =	stream.indirect.scatter.add.f32 [tilespmem:s28], [sflag:$0x4], $0x80, s26, s24, $0xb8;
	[tilespmem:$0x1DC00] =	vst v63  }
0x8f: {  	_ =	swait.ge [sflag:s30], $0x2800  }
0x90: {  	[sflag:s30] =	ssyncset.done $0x0  }
0x91: {  	[sflag:s30] =	ssyncadd.s32 $0xFFFFD800  }
0x92: {  	[tilespmem:s26], [sflag:$0x3] =	stream.linear.gather [hbm4b:s10+s3], $0x50, $0x38;
	[tilespmem:$0x1DC00] =	vst v63  }
0x93: {  	s12 =	sadd.s32 $0x140, s13  }
0x94: {  	[tilespmem:s28], [sflag:$0x3] =	stream.indirect.gather [hbm4b:s4+s24], $0x80, s12, s24, $0xb8;
	[tilespmem:$0x1DC00] =	vst v63  }
0x95: {  	_ =	swait.ge [sflag:s22], $0x50  }
0x96: {  	[sflag:s22] =	ssyncset.done $0x0  }
0x97: {  	[sflag:s22] =	ssyncadd.s32 $0xFFFFFFB0  }
0x98: {  	_ =	swait.ge [sflag:s22], $0x2800  }
.Ltmp1:
0x99: {  	[sflag:s22] =	ssyncset.done $0x0;
	(pc) =	sbr.rel @p0 .LBB2_4-.Ltmp1, $4  }
0x9a: {  	[sflag:s22] =	ssyncadd.s32 $0xFFFFD800  }
0x9b: {  	[spmem:s2] =	stream.indirect.scatter.add.f32 [tilespmem:s29], [sflag:$0x4], $0x80, s31, s24, $0xb8;
	[tilespmem:$0x1DC00] =	vst v63  }
0x9c: {  	s11 =	sadd.s32 $0xF0, s11;
	s8 =	sadd.s32 $0x1E, s8;
	_ =	swait.ge [sflag:s30], $0x2800  }
0x9d: {  	s10 =	sadd.s32 $0x1E, s10;
	s12 =	smov.u32 s7;
	[sflag:s30] =	ssyncset.done $0x0  }
0x9e: {  	[sflag:s30] =	ssyncadd.s32 $0xFFFFD800  }
0x9f: {  	_ =	swait.ge [sflag:s1], $0x50  }
0xa0: {  	[sflag:s1] =	ssyncset.done $0x0  }
0xa1: {  	[sflag:s1] =	ssyncadd.s32 $0xFFFFFFB0  }
0xa2: {  	_ =	swait.ge [sflag:s1], $0x2800  }
0xa3: {  	[sflag:s1] =	ssyncset.done $0x0  }
0xa4: {  	[sflag:s1] =	ssyncadd.s32 $0xFFFFD800  }
0xa5: {  	[spmem:s2] =	stream.indirect.scatter.add.f32 [tilespmem:s25], [sflag:$0x4], $0x80, s23, s24, $0xb8;
	[tilespmem:$0x1DC00] =	vst v63  }
0xa6: {  	_ =	swait.ge [sflag:s30], $0x2800  }
0xa7: {  	[sflag:s30] =	ssyncset.done $0x0  }
0xa8: {  	[sflag:s30] =	ssyncadd.s32 $0xFFFFD800  }
0xa9: {  	_ =	swait.ge [sflag:s0], $0x50  }
0xaa: {  	[sflag:s0] =	ssyncset.done $0x0  }
0xab: {  	[sflag:s0] =	ssyncadd.s32 $0xFFFFFFB0  }
0xac: {  	_ =	swait.ge [sflag:s0], $0x2800  }
0xad: {  	[sflag:s0] =	ssyncset.done $0x0  }
0xae: {  	[sflag:s0] =	ssyncadd.s32 $0xFFFFD800  }
0xaf: {  	[spmem:s2] =	stream.indirect.scatter.add.f32 [tilespmem:s28], [sflag:$0x4], $0x80, s26, s24, $0xb8;
	[tilespmem:$0x1DC00] =	vst v63  }
0xb0: {  	s7 =	stileid.u32;
	_ =	swait.ge [sflag:s30], $0x2800  }
0xb1: {  	s8 =	sshrl.u32 s9, $0x3;
	s6 =	sadd.s32 $0x1, s6;
	[sflag:s30] =	ssyncset.done $0x0  }
0xb2: {  	s7 =	sshll.u32 s7, $0x6;
	p0 =	sne.s32 s6, s18;
	[sflag:s30] =	ssyncadd.s32 $0xFFFFD800  }
.Ltmp2:
0xb3: {  	s7 =	sor.u32 $0x1C04, s7;
	[bflag:$0x0] =	sbarrier.arrive $0xFFFF;
	(pc) =	sbr.rel @p0 .LBB2_1-.Ltmp2, $4  }
0xb4: {  	[hbm:s17], [sflag:s7] =	dma.local [spmem:s8], $0x2800  }
0xb5: {  	_ =	swait.ge [sflag:s30], $0x2800  }
0xb6: {  	[sflag:s30] =	ssyncset.done $0x0  }
0xb7: {  	[sflag:s30] =	ssyncadd.s32 $0xFFFFD800  }
0xb8: {  	_ =	sfence.sel $0x180000  }
0xb9: {  	[bflag:$0x0] =	sbarrier.arrive $0xFFFF  }
0xba: {  	_ =	strace $0x9000004A  }
0xbb: {  	s0 =	stileid.u32;
	[bflag:$0x2] =	sbarrier.arrive $0xFFFF  }
0xbc: {  	p0 =	sne.s32 s0, $0x0;
	s0 =	rddreg [dreg:$0x2]  }
0xbd: {  	s0 =	sadd.s32 @!p0 $0x100000, s0  }
0xbe: {  	[sflag:s0] =	ssyncadd.tile.s32 @!p0 $0x1;
	_ =	shalt  }
.Lfunc_end2:
_tile_overlayer_lowered:
.L_overlay_start_2:
0xbf: {  	(tag) =	ssettag $0x2  }
0xc0: {  	s0 =	rddreg [dreg:$0x0];
	s2 =	stileid.u32  }
0xc1: {  	s1 =	rddreg [dreg:$0x1];
	p0 =	sne.s32 s2, $0x0  }
0xc2: {  	s3 =	rddreg [dreg:$0x2];
	[bflag:$0x3] =	sbarrier.arrive $0xFFFF;
	s2 =	simm.s32 @!p0 $0x1C04  }
0xc3: {  	[timem:s3], [sflag:s2] =	dma.local @!p0 [hbm:s0], s1  }
0xc4: {  	s0 =	simm.s32 @!p0 $0x4  }
0xc5: {  	_ =	swait.ge @!p0 [sflag:s0], s1  }
0xc6: {  	s1 =	ssub.s32 @!p0 $0x0, s1;
	[sflag:s0] =	ssyncset.done @!p0 $0x0  }
0xc7: {  	[sflag:s0] =	ssyncadd.s32 @!p0 s1  }
0xc8: {  	[bflag:$0x3] =	sbarrier.arrive $0xFFFF  }
0xc9: {  	_ =	shalt  }

</sc_bundles>
